<compile_context>
chip_gen: v7x
topology: tpu7x:2x2x1
jax: 0.10.2.dev20260603
libtpu: 0.0.44.dev20260713+nightly
codegen_flags: <defaults>
</compile_context>

<pallas_src>
import functools

import jax
import jax.numpy as jnp
from jax import lax
from jax.experimental import pallas as pl
from jax.experimental.pallas import tpu as pltpu
from jax.experimental.pallas import tpu_sc as plsc

_EMBED_DIM = 64
_EMBEDS = 1024
_ROWS = 16384
_BLK_R = 8192
_NB = _ROWS // _BLK_R

_NC = 2
_NS = 16
_NW = _NC * _NS
_B_PER_W = _ROWS // _NW


def _argmin_loss_body(flat_ref, emb_ref, idx_ref, loss_ref):
    i = pl.program_id(0)
    blk = flat_ref[...]
    emb = emb_ref[...]
    row_sq = jnp.sum(blk * blk, axis=1, keepdims=True)
    emb_sq = jnp.sum(emb * emb, axis=0, keepdims=True)
    half = _EMBEDS // 2
    m = None
    idxf = None
    for c in range(2):
        emb_c = emb[:, c * half:(c + 1) * half]
        prod_c = jnp.dot(blk, emb_c, preferred_element_type=jnp.float32)
        d_c = row_sq + emb_sq[:, c * half:(c + 1) * half] - 2.0 * prod_c
        m_c = jnp.min(d_c, axis=1, keepdims=True)
        iot = lax.broadcasted_iota(jnp.int32, d_c.shape, 1).astype(jnp.float32)
        i_c = jnp.min(jnp.where(d_c == m_c, iot, float(_EMBEDS)), axis=1)
        i_c = i_c + float(c * half)
        if m is None:
            m, idxf = m_c, i_c
        else:
            idxf = jnp.where(m_c[:, 0] < m[:, 0], i_c, idxf)
            m = jnp.minimum(m, m_c)
    idx_ref[...] = idxf.astype(jnp.int32)

    @pl.when(i == 0)
    def _init():
        loss_ref[0, 0] = 0.0

    loss_ref[0, 0] += jnp.sum(m)

    @pl.when(i == pl.num_programs(0) - 1)
    def _finish():
        loss_ref[0, 0] = loss_ref[0, 0] * (1.25 / (_ROWS * _EMBED_DIM))


def _argmin_loss(flat, embeddings, rows, off):
    nb = rows // _BLK_R
    off_nb = off // _BLK_R
    return pl.pallas_call(
        _argmin_loss_body,
        grid=(nb,),
        in_specs=[
            pl.BlockSpec((_BLK_R, _EMBED_DIM), lambda i: (i + off_nb, 0)),
            pl.BlockSpec((_EMBED_DIM, _EMBEDS), lambda i: (0, 0)),
        ],
        out_specs=[
            pl.BlockSpec((_BLK_R,), lambda i: (i,)),
            pl.BlockSpec(memory_space=pltpu.SMEM),
        ],
        out_shape=[
            jax.ShapeDtypeStruct((rows,), jnp.int32),
            jax.ShapeDtypeStruct((1, 1), jnp.float32),
        ],
        compiler_params=pltpu.CompilerParams(
            dimension_semantics=("arbitrary",),
        ),
    )(flat, embeddings)


def _sc_gather(table, idx, rows):
    b_per_w = rows // _NW
    mesh = plsc.VectorSubcoreMesh(
        core_axis_name="c", subcore_axis_name="s",
        num_cores=_NC, num_subcores=_NS,
    )

    @functools.partial(
        pl.kernel,
        mesh=mesh,
        out_type=jax.ShapeDtypeStruct((rows // 1024, 32, 32, _EMBED_DIM), jnp.float32),
        scratch_types=[
            pltpu.VMEM((b_per_w,), jnp.int32),
            pltpu.VMEM((b_per_w, _EMBED_DIM), jnp.float32),
            pltpu.SemaphoreType.DMA,
        ],
        compiler_params=pltpu.CompilerParams(use_tc_tiling_on_sc=False),
    )
    def gather_k(table_hbm, idx_hbm, out_hbm, idx_v, rows_v, sem):
        wid = lax.axis_index("s") * _NC + lax.axis_index("c")
        base = wid * b_per_w
        pltpu.sync_copy(idx_hbm.at[pl.ds(base, b_per_w)], idx_v)
        pltpu.async_copy(table_hbm.at[idx_v], rows_v, sem).wait()
        img = base // 1024
        i0 = (base % 1024) // 32
        handles = [
            pltpu.async_copy(
                rows_v.at[pl.ds(j * 32, 32)], out_hbm.at[img, i0 + j], sem)
            for j in range(b_per_w // 32)
        ]
        for h in handles:
            h.wait()

    return gather_k(table, idx)


def kernel(x, embeddings):
    flat = x.reshape(-1, _EMBED_DIM)
    table = embeddings.T
    idx, loss = _argmin_loss(flat, embeddings, _ROWS, 0)
    qtised = _sc_gather(table, idx, _ROWS)
    return qtised, loss[0, 0]

# --- scband reference (transcript-rebuilt; emitter-appended) ---
"""Pipeline reference for scband-vector-quantizer-43078521979117 (READ-ONLY COPY).

The authoritative reference and input builder live on the scoring server;
editing this copy changes nothing except your own understanding.
"""

import jax, jax.numpy as jnp
import numpy as np

EMBED_DIM = 64
EMBEDS = 1024
BETA = 0.25

def setup_inputs(seed: int = 0) -> dict:
    key = jax.random.key(seed)
    kx, ke = jax.random.split(key)
    x = jax.random.normal(kx, (16, 32, 32, EMBED_DIM), dtype=jnp.float32)
    # tf.random_uniform_initializer default: uniform in [-0.05, 0.05]
    embeddings = jax.random.uniform(ke, (EMBED_DIM, EMBEDS), dtype=jnp.float32, minval=-0.05, maxval=0.05)
    return {"x": x, "embeddings": embeddings}

def reference(x, embeddings):
    embed_dim = embeddings.shape[0]
    embeds = embeddings.shape[1]
    in_shape = x.shape
    flat = x.reshape(-1, embed_dim)
    dists = (jnp.sum(flat ** 2, axis=1, keepdims=True)
             + jnp.sum(embeddings ** 2, axis=0)
             - 2.0 * (flat @ embeddings))
    enc_ind = jnp.argmin(dists, axis=1)
    enc = jax.nn.one_hot(enc_ind, embeds, dtype=jnp.float32)
    qtised = (enc @ embeddings.T).reshape(in_shape)
    commit = jnp.mean((jax.lax.stop_gradient(qtised) - x) ** 2)
    codebook = jnp.mean((qtised - jax.lax.stop_gradient(x)) ** 2)
    loss = BETA * commit + codebook
    qtised_st = x + jax.lax.stop_gradient(qtised - x)
    return qtised_st, loss

if __name__ == "__main__":
    import jax
    _d = setup_inputs()
    print(jax.jit(kernel)(*tuple(_d.values())))

</pallas_src>

<mosaic_0001>
#map = affine_map<(d0, d1) -> (0, 0)>
#map1 = affine_map<(d0, d1) -> (0)>
#map2 = affine_map<(d0, d1) -> (0, 0, 0, 0)>
module attributes {stable_mosaic.version = 14 : i64} {
  func.func @gather_k(%arg0: i32, %arg1: i32, %arg2: memref<1024x64xf32, #tpu.memory_space<hbm>>, %arg3: memref<16384xi32, #tpu.memory_space<hbm>>, %arg4: memref<16x32x32x64xf32, #tpu.memory_space<hbm>>, %arg5: memref<512xi32, #tpu.memory_space<vmem>>, %arg6: memref<512x64xf32, #tpu.memory_space<vmem>>, %arg7: memref<!tpu.dma_semaphore, #tpu.memory_space<semaphore_mem>>) attributes {dimension_semantics = [#tpu.dimension_semantics<core_parallel>, #tpu.dimension_semantics<subcore_parallel>], iteration_bounds = array<i64: 2, 16>, scalar_prefetch = 0 : i64, scratch_operands = 3 : i64, tpu.core_type = #tpu.core_type<sc_vector_subcore>, window_params = [{transform_indices = #map}, {transform_indices = #map1}, {transform_indices = #map2}]} {
    %mul3A = arith.constant 2 : i32
    %mul3A_0 = arith.muli %arg1, %mul3A : i32
    %add3A = arith.addi %mul3A_0, %arg0 : i32
    %mul3A_1 = arith.constant 512 : i32
    %mul3A_2 = arith.muli %add3A, %mul3A_1 : i32
    "tpu.region"() ({
      %run_scoped3A = tpu.sem_alloc : memref<!tpu.dma_semaphore, #tpu.memory_space<semaphore_mem>>
      %dma_start3A_541 = tpu.memref_slice %arg3[%mul3A_2] : memref<16384xi32, #tpu.memory_space<hbm>> -> memref<512xi32, #tpu.memory_space<hbm>>
      %dma_start3A_542 = tpu.memref_slice %arg3[%mul3A_2] : memref<16384xi32, #tpu.memory_space<hbm>> -> memref<512xi32, #tpu.memory_space<hbm>>
      tpu.enqueue_dma source(%dma_start3A_542 : memref<512xi32, #tpu.memory_space<hbm>>) target(%arg5 : memref<512xi32, #tpu.memory_space<vmem>>) target_semaphore(%run_scoped3A : memref<!tpu.dma_semaphore, #tpu.memory_space<semaphore_mem>>)
      %dma_wait3A_543 = tpu.memref_slice %arg3[%mul3A_2] : memref<16384xi32, #tpu.memory_space<hbm>> -> memref<512xi32, #tpu.memory_space<hbm>>
      %dma_wait3A_544 = tpu.memref_slice %arg3[%mul3A_2] : memref<16384xi32, #tpu.memory_space<hbm>> -> memref<512xi32, #tpu.memory_space<hbm>>
      tpu.wait_dma2 semaphore(%run_scoped3A : memref<!tpu.dma_semaphore, #tpu.memory_space<semaphore_mem>>) src(%dma_wait3A_544 : memref<512xi32, #tpu.memory_space<hbm>>) dst(%arg5 : memref<512xi32, #tpu.memory_space<vmem>>)
      tpu.yield
    }) : () -> ()
    %dma_start3A = arith.constant 0 : i32
    %dma_start3A_3 = arith.constant 0 : i32
    %dma_start3A_4 = tpu.memref_slice %arg2[%dma_start3A, %dma_start3A_3] : memref<1024x64xf32, #tpu.memory_space<hbm>> -> memref<1024x64xf32, #tpu.memory_space<hbm>>
    tpu.enqueue_indirect_dma source(%dma_start3A_4 : memref<1024x64xf32, #tpu.memory_space<hbm>>) target(%arg6 : memref<512x64xf32, #tpu.memory_space<vmem>>) offsets(%arg5 : memref<512xi32, #tpu.memory_space<vmem>>) semaphore(%arg7 : memref<!tpu.dma_semaphore, #tpu.memory_space<semaphore_mem>>)
    %dma_wait3A = arith.constant 0 : i32
    %dma_wait3A_5 = arith.constant 0 : i32
    %dma_wait3A_6 = tpu.memref_slice %arg2[%dma_wait3A, %dma_wait3A_5] : memref<1024x64xf32, #tpu.memory_space<hbm>> -> memref<1024x64xf32, #tpu.memory_space<hbm>>
    tpu.wait_indirect_dma semaphore(%arg7 : memref<!tpu.dma_semaphore, #tpu.memory_space<semaphore_mem>>) src(%dma_wait3A_6 : memref<1024x64xf32, #tpu.memory_space<hbm>>) dst(%arg6 : memref<512x64xf32, #tpu.memory_space<vmem>>)
    %jit3A = arith.constant 1024 : i32
    %div3A = arith.divsi %mul3A_2, %jit3A : i32
    %sign3A = arith.constant 0 : i32
    %sign3A_7 = arith.cmpi sgt, %mul3A_2, %sign3A : i32
    %sign3A_8 = arith.extui %sign3A_7 : i1 to i32
    %sign3A_9 = arith.constant 0 : i32
    %sign3A_10 = arith.cmpi slt, %mul3A_2, %sign3A_9 : i32
    %sign3A_11 = arith.extui %sign3A_10 : i1 to i32
    %sign3A_12 = arith.subi %sign3A_8, %sign3A_11 : i32
    %sign3A_13 = arith.constant 0 : i32
    %sign3A_14 = arith.cmpi sgt, %jit3A, %sign3A_13 : i32
    %sign3A_15 = arith.extui %sign3A_14 : i1 to i32
    %sign3A_16 = arith.constant 0 : i32
    %sign3A_17 = arith.cmpi slt, %jit3A, %sign3A_16 : i32
    %sign3A_18 = arith.extui %sign3A_17 : i1 to i32
    %sign3A_19 = arith.subi %sign3A_15, %sign3A_18 : i32
    %ne3A = arith.cmpi ne, %sign3A_12, %sign3A_19 : i32
    %rem3A = arith.remsi %mul3A_2, %jit3A : i32
    %ne3A_20 = arith.constant 0 : i32
    %ne3A_21 = arith.cmpi ne, %rem3A, %ne3A_20 : i32
    %and3A = arith.andi %ne3A, %ne3A_21 : i1
    %sub3A = arith.constant 1 : i32
    %sub3A_22 = arith.subi %div3A, %sub3A : i32
    %select_n3A = arith.select %and3A, %sub3A_22, %div3A : i32
    %jit3A_23 = arith.constant 1024 : i32
    %eq3A = arith.constant 0 : i32
    %eq3A_24 = arith.cmpi eq, %jit3A_23, %eq3A : i32
    %jit3A_25 = arith.constant 1 : i32
    %select_n3A_26 = arith.select %eq3A_24, %jit3A_25, %jit3A_23 : i32
    %rem3A_27 = arith.remsi %mul3A_2, %select_n3A_26 : i32
    %ne3A_28 = arith.constant 0 : i32
    %ne3A_29 = arith.cmpi ne, %rem3A_27, %ne3A_28 : i32
    %lt3A = arith.constant 0 : i32
    %lt3A_30 = arith.cmpi slt, %rem3A_27, %lt3A : i32
    %lt3A_31 = arith.constant 0 : i32
    %lt3A_32 = arith.cmpi slt, %select_n3A_26, %lt3A_31 : i32
    %ne3A_33 = arith.xori %lt3A_30, %lt3A_32 : i1
    %and3A_34 = arith.andi %ne3A_33, %ne3A_29 : i1
    %add3A_35 = arith.addi %rem3A_27, %select_n3A_26 : i32
    %select_n3A_36 = arith.select %and3A_34, %add3A_35, %rem3A_27 : i32
    %jit3A_37 = arith.constant 32 : i32
    %div3A_38 = arith.divsi %select_n3A_36, %jit3A_37 : i32
    %sign3A_39 = arith.constant 0 : i32
    %sign3A_40 = arith.cmpi sgt, %select_n3A_36, %sign3A_39 : i32
    %sign3A_41 = arith.extui %sign3A_40 : i1 to i32
    %sign3A_42 = arith.constant 0 : i32
    %sign3A_43 = arith.cmpi slt, %select_n3A_36, %sign3A_42 : i32
    %sign3A_44 = arith.extui %sign3A_43 : i1 to i32
    %sign3A_45 = arith.subi %sign3A_41, %sign3A_44 : i32
    %sign3A_46 = arith.constant 0 : i32
    %sign3A_47 = arith.cmpi sgt, %jit3A_37, %sign3A_46 : i32
    %sign3A_48 = arith.extui %sign3A_47 : i1 to i32
    %sign3A_49 = arith.constant 0 : i32
    %sign3A_50 = arith.cmpi slt, %jit3A_37, %sign3A_49 : i32
    %sign3A_51 = arith.extui %sign3A_50 : i1 to i32
    %sign3A_52 = arith.subi %sign3A_48, %sign3A_51 : i32
    %ne3A_53 = arith.cmpi ne, %sign3A_45, %sign3A_52 : i32
    %rem3A_54 = arith.remsi %select_n3A_36, %jit3A_37 : i32
    %ne3A_55 = arith.constant 0 : i32
    %ne3A_56 = arith.cmpi ne, %rem3A_54, %ne3A_55 : i32
    %and3A_57 = arith.andi %ne3A_53, %ne3A_56 : i1
    %sub3A_58 = arith.constant 1 : i32
    %sub3A_59 = arith.subi %div3A_38, %sub3A_58 : i32
    %select_n3A_60 = arith.select %and3A_57, %sub3A_59, %div3A_38 : i32
    %add3A_61 = arith.constant 0 : i32
    %add3A_62 = arith.addi %select_n3A_60, %add3A_61 : i32
    %dma_start3A_63 = arith.constant 0 : i32
    %dma_start3A_64 = arith.constant 0 : i32
    %dma_start3A_65 = tpu.memref_slice %arg6[%dma_start3A_63, %dma_start3A_64] : memref<512x64xf32, #tpu.memory_space<vmem>> -> memref<32x64xf32, #tpu.memory_space<vmem>>
    %dma_start3A_66 = arith.constant 0 : i32
    %dma_start3A_67 = arith.constant 0 : i32
    %dma_start3A_68 = tpu.memref_slice %arg4[%select_n3A, %add3A_62, %dma_start3A_66, %dma_start3A_67] : memref<16x32x32x64xf32, #tpu.memory_space<hbm>> -> memref<1x1x32x64xf32, #tpu.memory_space<hbm>>
    %dma_start3A_69 = tpu.memref_squeeze %dma_start3A_68 : memref<1x1x32x64xf32, #tpu.memory_space<hbm>> -> memref<32x64xf32, #tpu.memory_space<hbm>>
    %dma_start3A_70 = arith.constant 0 : i32
    %dma_start3A_71 = arith.constant 0 : i32
    %dma_start3A_72 = tpu.memref_slice %arg4[%select_n3A, %add3A_62, %dma_start3A_70, %dma_start3A_71] : memref<16x32x32x64xf32, #tpu.memory_space<hbm>> -> memref<1x1x32x64xf32, #tpu.memory_space<hbm>>
    %dma_start3A_73 = tpu.memref_squeeze %dma_start3A_72 : memref<1x1x32x64xf32, #tpu.memory_space<hbm>> -> memref<32x64xf32, #tpu.memory_space<hbm>>
    %dma_start3A_74 = arith.constant 0 : i32
    %dma_start3A_75 = arith.constant 0 : i32
    %dma_start3A_76 = tpu.memref_slice %arg6[%dma_start3A_74, %dma_start3A_75] : memref<512x64xf32, #tpu.memory_space<vmem>> -> memref<32x64xf32, #tpu.memory_space<vmem>>
    tpu.enqueue_dma source(%dma_start3A_76 : memref<32x64xf32, #tpu.memory_space<vmem>>) target(%dma_start3A_73 : memref<32x64xf32, #tpu.memory_space<hbm>>) target_semaphore(%arg7 : memref<!tpu.dma_semaphore, #tpu.memory_space<semaphore_mem>>)
    %add3A_77 = arith.constant 1 : i32
    %add3A_78 = arith.addi %select_n3A_60, %add3A_77 : i32
    %dma_start3A_79 = arith.constant 32 : i32
    %dma_start3A_80 = arith.constant 0 : i32
    %dma_start3A_81 = tpu.memref_slice %arg6[%dma_start3A_79, %dma_start3A_80] : memref<512x64xf32, #tpu.memory_space<vmem>> -> memref<32x64xf32, #tpu.memory_space<vmem>>
    %dma_start3A_82 = arith.constant 0 : i32
    %dma_start3A_83 = arith.constant 0 : i32
    %dma_start3A_84 = tpu.memref_slice %arg4[%select_n3A, %add3A_78, %dma_start3A_82, %dma_start3A_83] : memref<16x32x32x64xf32, #tpu.memory_space<hbm>> -> memref<1x1x32x64xf32, #tpu.memory_space<hbm>>
    %dma_start3A_85 = tpu.memref_squeeze %dma_start3A_84 : memref<1x1x32x64xf32, #tpu.memory_space<hbm>> -> memref<32x64xf32, #tpu.memory_space<hbm>>
    %dma_start3A_86 = arith.constant 0 : i32
    %dma_start3A_87 = arith.constant 0 : i32
    %dma_start3A_88 = tpu.memref_slice %arg4[%select_n3A, %add3A_78, %dma_start3A_86, %dma_start3A_87] : memref<16x32x32x64xf32, #tpu.memory_space<hbm>> -> memref<1x1x32x64xf32, #tpu.memory_space<hbm>>
    %dma_start3A_89 = tpu.memref_squeeze %dma_start3A_88 : memref<1x1x32x64xf32, #tpu.memory_space<hbm>> -> memref<32x64xf32, #tpu.memory_space<hbm>>
    %dma_start3A_90 = arith.constant 32 : i32
    %dma_start3A_91 = arith.constant 0 : i32
    %dma_start3A_92 = tpu.memref_slice %arg6[%dma_start3A_90, %dma_start3A_91] : memref<512x64xf32, #tpu.memory_space<vmem>> -> memref<32x64xf32, #tpu.memory_space<vmem>>
    tpu.enqueue_dma source(%dma_start3A_92 : memref<32x64xf32, #tpu.memory_space<vmem>>) target(%dma_start3A_89 : memref<32x64xf32, #tpu.memory_space<hbm>>) target_semaphore(%arg7 : memref<!tpu.dma_semaphore, #tpu.memory_space<semaphore_mem>>)
    %add3A_93 = arith.constant 2 : i32
    %add3A_94 = arith.addi %select_n3A_60, %add3A_93 : i32
    %dma_start3A_95 = arith.constant 64 : i32
    %dma_start3A_96 = arith.constant 0 : i32
    %dma_start3A_97 = tpu.memref_slice %arg6[%dma_start3A_95, %dma_start3A_96] : memref<512x64xf32, #tpu.memory_space<vmem>> -> memref<32x64xf32, #tpu.memory_space<vmem>>
    %dma_start3A_98 = arith.constant 0 : i32
    %dma_start3A_99 = arith.constant 0 : i32
    %dma_start3A_100 = tpu.memref_slice %arg4[%select_n3A, %add3A_94, %dma_start3A_98, %dma_start3A_99] : memref<16x32x32x64xf32, #tpu.memory_space<hbm>> -> memref<1x1x32x64xf32, #tpu.memory_space<hbm>>
    %dma_start3A_101 = tpu.memref_squeeze %dma_start3A_100 : memref<1x1x32x64xf32, #tpu.memory_space<hbm>> -> memref<32x64xf32, #tpu.memory_space<hbm>>
    %dma_start3A_102 = arith.constant 0 : i32
    %dma_start3A_103 = arith.constant 0 : i32
    %dma_start3A_104 = tpu.memref_slice %arg4[%select_n3A, %add3A_94, %dma_start3A_102, %dma_start3A_103] : memref<16x32x32x64xf32, #tpu.memory_space<hbm>> -> memref<1x1x32x64xf32, #tpu.memory_space<hbm>>
    %dma_start3A_105 = tpu.memref_squeeze %dma_start3A_104 : memref<1x1x32x64xf32, #tpu.memory_space<hbm>> -> memref<32x64xf32, #tpu.memory_space<hbm>>
    %dma_start3A_106 = arith.constant 64 : i32
    %dma_start3A_107 = arith.constant 0 : i32
    %dma_start3A_108 = tpu.memref_slice %arg6[%dma_start3A_106, %dma_start3A_107] : memref<512x64xf32, #tpu.memory_space<vmem>> -> memref<32x64xf32, #tpu.memory_space<vmem>>
    tpu.enqueue_dma source(%dma_start3A_108 : memref<32x64xf32, #tpu.memory_space<vmem>>) target(%dma_start3A_105 : memref<32x64xf32, #tpu.memory_space<hbm>>) target_semaphore(%arg7 : memref<!tpu.dma_semaphore, #tpu.memory_space<semaphore_mem>>)
    %add3A_109 = arith.constant 3 : i32
    %add3A_110 = arith.addi %select_n3A_60, %add3A_109 : i32
    %dma_start3A_111 = arith.constant 96 : i32
    %dma_start3A_112 = arith.constant 0 : i32
    %dma_start3A_113 = tpu.memref_slice %arg6[%dma_start3A_111, %dma_start3A_112] : memref<512x64xf32, #tpu.memory_space<vmem>> -> memref<32x64xf32, #tpu.memory_space<vmem>>
    %dma_start3A_114 = arith.constant 0 : i32
    %dma_start3A_115 = arith.constant 0 : i32
    %dma_start3A_116 = tpu.memref_slice %arg4[%select_n3A, %add3A_110, %dma_start3A_114, %dma_start3A_115] : memref<16x32x32x64xf32, #tpu.memory_space<hbm>> -> memref<1x1x32x64xf32, #tpu.memory_space<hbm>>
    %dma_start3A_117 = tpu.memref_squeeze %dma_start3A_116 : memref<1x1x32x64xf32, #tpu.memory_space<hbm>> -> memref<32x64xf32, #tpu.memory_space<hbm>>
    %dma_start3A_118 = arith.constant 0 : i32
    %dma_start3A_119 = arith.constant 0 : i32
    %dma_start3A_120 = tpu.memref_slice %arg4[%select_n3A, %add3A_110, %dma_start3A_118, %dma_start3A_119] : memref<16x32x32x64xf32, #tpu.memory_space<hbm>> -> memref<1x1x32x64xf32, #tpu.memory_space<hbm>>
    %dma_start3A_121 = tpu.memref_squeeze %dma_start3A_120 : memref<1x1x32x64xf32, #tpu.memory_space<hbm>> -> memref<32x64xf32, #tpu.memory_space<hbm>>
    %dma_start3A_122 = arith.constant 96 : i32
    %dma_start3A_123 = arith.constant 0 : i32
    %dma_start3A_124 = tpu.memref_slice %arg6[%dma_start3A_122, %dma_start3A_123] : memref<512x64xf32, #tpu.memory_space<vmem>> -> memref<32x64xf32, #tpu.memory_space<vmem>>
    tpu.enqueue_dma source(%dma_start3A_124 : memref<32x64xf32, #tpu.memory_space<vmem>>) target(%dma_start3A_121 : memref<32x64xf32, #tpu.memory_space<hbm>>) target_semaphore(%arg7 : memref<!tpu.dma_semaphore, #tpu.memory_space<semaphore_mem>>)
    %add3A_125 = arith.constant 4 : i32
    %add3A_126 = arith.addi %select_n3A_60, %add3A_125 : i32
    %dma_start3A_127 = arith.constant 128 : i32
    %dma_start3A_128 = arith.constant 0 : i32
    %dma_start3A_129 = tpu.memref_slice %arg6[%dma_start3A_127, %dma_start3A_128] : memref<512x64xf32, #tpu.memory_space<vmem>> -> memref<32x64xf32, #tpu.memory_space<vmem>>
    %dma_start3A_130 = arith.constant 0 : i32
    %dma_start3A_131 = arith.constant 0 : i32
    %dma_start3A_132 = tpu.memref_slice %arg4[%select_n3A, %add3A_126, %dma_start3A_130, %dma_start3A_131] : memref<16x32x32x64xf32, #tpu.memory_space<hbm>> -> memref<1x1x32x64xf32, #tpu.memory_space<hbm>>
    %dma_start3A_133 = tpu.memref_squeeze %dma_start3A_132 : memref<1x1x32x64xf32, #tpu.memory_space<hbm>> -> memref<32x64xf32, #tpu.memory_space<hbm>>
    %dma_start3A_134 = arith.constant 0 : i32
    %dma_start3A_135 = arith.constant 0 : i32
    %dma_start3A_136 = tpu.memref_slice %arg4[%select_n3A, %add3A_126, %dma_start3A_134, %dma_start3A_135] : memref<16x32x32x64xf32, #tpu.memory_space<hbm>> -> memref<1x1x32x64xf32, #tpu.memory_space<hbm>>
    %dma_start3A_137 = tpu.memref_squeeze %dma_start3A_136 : memref<1x1x32x64xf32, #tpu.memory_space<hbm>> -> memref<32x64xf32, #tpu.memory_space<hbm>>
    %dma_start3A_138 = arith.constant 128 : i32
    %dma_start3A_139 = arith.constant 0 : i32
    %dma_start3A_140 = tpu.memref_slice %arg6[%dma_start3A_138, %dma_start3A_139] : memref<512x64xf32, #tpu.memory_space<vmem>> -> memref<32x64xf32, #tpu.memory_space<vmem>>
    tpu.enqueue_dma source(%dma_start3A_140 : memref<32x64xf32, #tpu.memory_space<vmem>>) target(%dma_start3A_137 : memref<32x64xf32, #tpu.memory_space<hbm>>) target_semaphore(%arg7 : memref<!tpu.dma_semaphore, #tpu.memory_space<semaphore_mem>>)
    %add3A_141 = arith.constant 5 : i32
    %add3A_142 = arith.addi %select_n3A_60, %add3A_141 : i32
    %dma_start3A_143 = arith.constant 160 : i32
    %dma_start3A_144 = arith.constant 0 : i32
    %dma_start3A_145 = tpu.memref_slice %arg6[%dma_start3A_143, %dma_start3A_144] : memref<512x64xf32, #tpu.memory_space<vmem>> -> memref<32x64xf32, #tpu.memory_space<vmem>>
    %dma_start3A_146 = arith.constant 0 : i32
    %dma_start3A_147 = arith.constant 0 : i32
    %dma_start3A_148 = tpu.memref_slice %arg4[%select_n3A, %add3A_142, %dma_start3A_146, %dma_start3A_147] : memref<16x32x32x64xf32, #tpu.memory_space<hbm>> -> memref<1x1x32x64xf32, #tpu.memory_space<hbm>>
    %dma_start3A_149 = tpu.memref_squeeze %dma_start3A_148 : memref<1x1x32x64xf32, #tpu.memory_space<hbm>> -> memref<32x64xf32, #tpu.memory_space<hbm>>
    %dma_start3A_150 = arith.constant 0 : i32
    %dma_start3A_151 = arith.constant 0 : i32
    %dma_start3A_152 = tpu.memref_slice %arg4[%select_n3A, %add3A_142, %dma_start3A_150, %dma_start3A_151] : memref<16x32x32x64xf32, #tpu.memory_space<hbm>> -> memref<1x1x32x64xf32, #tpu.memory_space<hbm>>
    %dma_start3A_153 = tpu.memref_squeeze %dma_start3A_152 : memref<1x1x32x64xf32, #tpu.memory_space<hbm>> -> memref<32x64xf32, #tpu.memory_space<hbm>>
    %dma_start3A_154 = arith.constant 160 : i32
    %dma_start3A_155 = arith.constant 0 : i32
    %dma_start3A_156 = tpu.memref_slice %arg6[%dma_start3A_154, %dma_start3A_155] : memref<512x64xf32, #tpu.memory_space<vmem>> -> memref<32x64xf32, #tpu.memory_space<vmem>>
    tpu.enqueue_dma source(%dma_start3A_156 : memref<32x64xf32, #tpu.memory_space<vmem>>) target(%dma_start3A_153 : memref<32x64xf32, #tpu.memory_space<hbm>>) target_semaphore(%arg7 : memref<!tpu.dma_semaphore, #tpu.memory_space<semaphore_mem>>)
    %add3A_157 = arith.constant 6 : i32
    %add3A_158 = arith.addi %select_n3A_60, %add3A_157 : i32
    %dma_start3A_159 = arith.constant 192 : i32
    %dma_start3A_160 = arith.constant 0 : i32
    %dma_start3A_161 = tpu.memref_slice %arg6[%dma_start3A_159, %dma_start3A_160] : memref<512x64xf32, #tpu.memory_space<vmem>> -> memref<32x64xf32, #tpu.memory_space<vmem>>
    %dma_start3A_162 = arith.constant 0 : i32
    %dma_start3A_163 = arith.constant 0 : i32
    %dma_start3A_164 = tpu.memref_slice %arg4[%select_n3A, %add3A_158, %dma_start3A_162, %dma_start3A_163] : memref<16x32x32x64xf32, #tpu.memory_space<hbm>> -> memref<1x1x32x64xf32, #tpu.memory_space<hbm>>
    %dma_start3A_165 = tpu.memref_squeeze %dma_start3A_164 : memref<1x1x32x64xf32, #tpu.memory_space<hbm>> -> memref<32x64xf32, #tpu.memory_space<hbm>>
    %dma_start3A_166 = arith.constant 0 : i32
    %dma_start3A_167 = arith.constant 0 : i32
    %dma_start3A_168 = tpu.memref_slice %arg4[%select_n3A, %add3A_158, %dma_start3A_166, %dma_start3A_167] : memref<16x32x32x64xf32, #tpu.memory_space<hbm>> -> memref<1x1x32x64xf32, #tpu.memory_space<hbm>>
    %dma_start3A_169 = tpu.memref_squeeze %dma_start3A_168 : memref<1x1x32x64xf32, #tpu.memory_space<hbm>> -> memref<32x64xf32, #tpu.memory_space<hbm>>
    %dma_start3A_170 = arith.constant 192 : i32
    %dma_start3A_171 = arith.constant 0 : i32
    %dma_start3A_172 = tpu.memref_slice %arg6[%dma_start3A_170, %dma_start3A_171] : memref<512x64xf32, #tpu.memory_space<vmem>> -> memref<32x64xf32, #tpu.memory_space<vmem>>
    tpu.enqueue_dma source(%dma_start3A_172 : memref<32x64xf32, #tpu.memory_space<vmem>>) target(%dma_start3A_169 : memref<32x64xf32, #tpu.memory_space<hbm>>) target_semaphore(%arg7 : memref<!tpu.dma_semaphore, #tpu.memory_space<semaphore_mem>>)
    %add3A_173 = arith.constant 7 : i32
    %add3A_174 = arith.addi %select_n3A_60, %add3A_173 : i32
    %dma_start3A_175 = arith.constant 224 : i32
    %dma_start3A_176 = arith.constant 0 : i32
    %dma_start3A_177 = tpu.memref_slice %arg6[%dma_start3A_175, %dma_start3A_176] : memref<512x64xf32, #tpu.memory_space<vmem>> -> memref<32x64xf32, #tpu.memory_space<vmem>>
    %dma_start3A_178 = arith.constant 0 : i32
    %dma_start3A_179 = arith.constant 0 : i32
    %dma_start3A_180 = tpu.memref_slice %arg4[%select_n3A, %add3A_174, %dma_start3A_178, %dma_start3A_179] : memref<16x32x32x64xf32, #tpu.memory_space<hbm>> -> memref<1x1x32x64xf32, #tpu.memory_space<hbm>>
    %dma_start3A_181 = tpu.memref_squeeze %dma_start3A_180 : memref<1x1x32x64xf32, #tpu.memory_space<hbm>> -> memref<32x64xf32, #tpu.memory_space<hbm>>
    %dma_start3A_182 = arith.constant 0 : i32
    %dma_start3A_183 = arith.constant 0 : i32
    %dma_start3A_184 = tpu.memref_slice %arg4[%select_n3A, %add3A_174, %dma_start3A_182, %dma_start3A_183] : memref<16x32x32x64xf32, #tpu.memory_space<hbm>> -> memref<1x1x32x64xf32, #tpu.memory_space<hbm>>
    %dma_start3A_185 = tpu.memref_squeeze %dma_start3A_184 : memref<1x1x32x64xf32, #tpu.memory_space<hbm>> -> memref<32x64xf32, #tpu.memory_space<hbm>>
    %dma_start3A_186 = arith.constant 224 : i32
    %dma_start3A_187 = arith.constant 0 : i32
    %dma_start3A_188 = tpu.memref_slice %arg6[%dma_start3A_186, %dma_start3A_187] : memref<512x64xf32, #tpu.memory_space<vmem>> -> memref<32x64xf32, #tpu.memory_space<vmem>>
    tpu.enqueue_dma source(%dma_start3A_188 : memref<32x64xf32, #tpu.memory_space<vmem>>) target(%dma_start3A_185 : memref<32x64xf32, #tpu.memory_space<hbm>>) target_semaphore(%arg7 : memref<!tpu.dma_semaphore, #tpu.memory_space<semaphore_mem>>)
    %add3A_189 = arith.constant 8 : i32
    %add3A_190 = arith.addi %select_n3A_60, %add3A_189 : i32
    %dma_start3A_191 = arith.constant 256 : i32
    %dma_start3A_192 = arith.constant 0 : i32
    %dma_start3A_193 = tpu.memref_slice %arg6[%dma_start3A_191, %dma_start3A_192] : memref<512x64xf32, #tpu.memory_space<vmem>> -> memref<32x64xf32, #tpu.memory_space<vmem>>
    %dma_start3A_194 = arith.constant 0 : i32
    %dma_start3A_195 = arith.constant 0 : i32
    %dma_start3A_196 = tpu.memref_slice %arg4[%select_n3A, %add3A_190, %dma_start3A_194, %dma_start3A_195] : memref<16x32x32x64xf32, #tpu.memory_space<hbm>> -> memref<1x1x32x64xf32, #tpu.memory_space<hbm>>
    %dma_start3A_197 = tpu.memref_squeeze %dma_start3A_196 : memref<1x1x32x64xf32, #tpu.memory_space<hbm>> -> memref<32x64xf32, #tpu.memory_space<hbm>>
    %dma_start3A_198 = arith.constant 0 : i32
    %dma_start3A_199 = arith.constant 0 : i32
    %dma_start3A_200 = tpu.memref_slice %arg4[%select_n3A, %add3A_190, %dma_start3A_198, %dma_start3A_199] : memref<16x32x32x64xf32, #tpu.memory_space<hbm>> -> memref<1x1x32x64xf32, #tpu.memory_space<hbm>>
    %dma_start3A_201 = tpu.memref_squeeze %dma_start3A_200 : memref<1x1x32x64xf32, #tpu.memory_space<hbm>> -> memref<32x64xf32, #tpu.memory_space<hbm>>
    %dma_start3A_202 = arith.constant 256 : i32
    %dma_start3A_203 = arith.constant 0 : i32
    %dma_start3A_204 = tpu.memref_slice %arg6[%dma_start3A_202, %dma_start3A_203] : memref<512x64xf32, #tpu.memory_space<vmem>> -> memref<32x64xf32, #tpu.memory_space<vmem>>
    tpu.enqueue_dma source(%dma_start3A_204 : memref<32x64xf32, #tpu.memory_space<vmem>>) target(%dma_start3A_201 : memref<32x64xf32, #tpu.memory_space<hbm>>) target_semaphore(%arg7 : memref<!tpu.dma_semaphore, #tpu.memory_space<semaphore_mem>>)
    %add3A_205 = arith.constant 9 : i32
    %add3A_206 = arith.addi %select_n3A_60, %add3A_205 : i32
    %dma_start3A_207 = arith.constant 288 : i32
    %dma_start3A_208 = arith.constant 0 : i32
    %dma_start3A_209 = tpu.memref_slice %arg6[%dma_start3A_207, %dma_start3A_208] : memref<512x64xf32, #tpu.memory_space<vmem>> -> memref<32x64xf32, #tpu.memory_space<vmem>>
    %dma_start3A_210 = arith.constant 0 : i32
    %dma_start3A_211 = arith.constant 0 : i32
    %dma_start3A_212 = tpu.memref_slice %arg4[%select_n3A, %add3A_206, %dma_start3A_210, %dma_start3A_211] : memref<16x32x32x64xf32, #tpu.memory_space<hbm>> -> memref<1x1x32x64xf32, #tpu.memory_space<hbm>>
    %dma_start3A_213 = tpu.memref_squeeze %dma_start3A_212 : memref<1x1x32x64xf32, #tpu.memory_space<hbm>> -> memref<32x64xf32, #tpu.memory_space<hbm>>
    %dma_start3A_214 = arith.constant 0 : i32
    %dma_start3A_215 = arith.constant 0 : i32
    %dma_start3A_216 = tpu.memref_slice %arg4[%select_n3A, %add3A_206, %dma_start3A_214, %dma_start3A_215] : memref<16x32x32x64xf32, #tpu.memory_space<hbm>> -> memref<1x1x32x64xf32, #tpu.memory_space<hbm>>
    %dma_start3A_217 = tpu.memref_squeeze %dma_start3A_216 : memref<1x1x32x64xf32, #tpu.memory_space<hbm>> -> memref<32x64xf32, #tpu.memory_space<hbm>>
    %dma_start3A_218 = arith.constant 288 : i32
    %dma_start3A_219 = arith.constant 0 : i32
    %dma_start3A_220 = tpu.memref_slice %arg6[%dma_start3A_218, %dma_start3A_219] : memref<512x64xf32, #tpu.memory_space<vmem>> -> memref<32x64xf32, #tpu.memory_space<vmem>>
    tpu.enqueue_dma source(%dma_start3A_220 : memref<32x64xf32, #tpu.memory_space<vmem>>) target(%dma_start3A_217 : memref<32x64xf32, #tpu.memory_space<hbm>>) target_semaphore(%arg7 : memref<!tpu.dma_semaphore, #tpu.memory_space<semaphore_mem>>)
    %add3A_221 = arith.constant 10 : i32
    %add3A_222 = arith.addi %select_n3A_60, %add3A_221 : i32
    %dma_start3A_223 = arith.constant 320 : i32
    %dma_start3A_224 = arith.constant 0 : i32
    %dma_start3A_225 = tpu.memref_slice %arg6[%dma_start3A_223, %dma_start3A_224] : memref<512x64xf32, #tpu.memory_space<vmem>> -> memref<32x64xf32, #tpu.memory_space<vmem>>
    %dma_start3A_226 = arith.constant 0 : i32
    %dma_start3A_227 = arith.constant 0 : i32
    %dma_start3A_228 = tpu.memref_slice %arg4[%select_n3A, %add3A_222, %dma_start3A_226, %dma_start3A_227] : memref<16x32x32x64xf32, #tpu.memory_space<hbm>> -> memref<1x1x32x64xf32, #tpu.memory_space<hbm>>
    %dma_start3A_229 = tpu.memref_squeeze %dma_start3A_228 : memref<1x1x32x64xf32, #tpu.memory_space<hbm>> -> memref<32x64xf32, #tpu.memory_space<hbm>>
    %dma_start3A_230 = arith.constant 0 : i32
    %dma_start3A_231 = arith.constant 0 : i32
    %dma_start3A_232 = tpu.memref_slice %arg4[%select_n3A, %add3A_222, %dma_start3A_230, %dma_start3A_231] : memref<16x32x32x64xf32, #tpu.memory_space<hbm>> -> memref<1x1x32x64xf32, #tpu.memory_space<hbm>>
    %dma_start3A_233 = tpu.memref_squeeze %dma_start3A_232 : memref<1x1x32x64xf32, #tpu.memory_space<hbm>> -> memref<32x64xf32, #tpu.memory_space<hbm>>
    %dma_start3A_234 = arith.constant 320 : i32
    %dma_start3A_235 = arith.constant 0 : i32
    %dma_start3A_236 = tpu.memref_slice %arg6[%dma_start3A_234, %dma_start3A_235] : memref<512x64xf32, #tpu.memory_space<vmem>> -> memref<32x64xf32, #tpu.memory_space<vmem>>
    tpu.enqueue_dma source(%dma_start3A_236 : memref<32x64xf32, #tpu.memory_space<vmem>>) target(%dma_start3A_233 : memref<32x64xf32, #tpu.memory_space<hbm>>) target_semaphore(%arg7 : memref<!tpu.dma_semaphore, #tpu.memory_space<semaphore_mem>>)
    %add3A_237 = arith.constant 11 : i32
    %add3A_238 = arith.addi %select_n3A_60, %add3A_237 : i32
    %dma_start3A_239 = arith.constant 352 : i32
    %dma_start3A_240 = arith.constant 0 : i32
    %dma_start3A_241 = tpu.memref_slice %arg6[%dma_start3A_239, %dma_start3A_240] : memref<512x64xf32, #tpu.memory_space<vmem>> -> memref<32x64xf32, #tpu.memory_space<vmem>>
    %dma_start3A_242 = arith.constant 0 : i32
    %dma_start3A_243 = arith.constant 0 : i32
    %dma_start3A_244 = tpu.memref_slice %arg4[%select_n3A, %add3A_238, %dma_start3A_242, %dma_start3A_243] : memref<16x32x32x64xf32, #tpu.memory_space<hbm>> -> memref<1x1x32x64xf32, #tpu.memory_space<hbm>>
    %dma_start3A_245 = tpu.memref_squeeze %dma_start3A_244 : memref<1x1x32x64xf32, #tpu.memory_space<hbm>> -> memref<32x64xf32, #tpu.memory_space<hbm>>
    %dma_start3A_246 = arith.constant 0 : i32
    %dma_start3A_247 = arith.constant 0 : i32
    %dma_start3A_248 = tpu.memref_slice %arg4[%select_n3A, %add3A_238, %dma_start3A_246, %dma_start3A_247] : memref<16x32x32x64xf32, #tpu.memory_space<hbm>> -> memref<1x1x32x64xf32, #tpu.memory_space<hbm>>
    %dma_start3A_249 = tpu.memref_squeeze %dma_start3A_248 : memref<1x1x32x64xf32, #tpu.memory_space<hbm>> -> memref<32x64xf32, #tpu.memory_space<hbm>>
    %dma_start3A_250 = arith.constant 352 : i32
    %dma_start3A_251 = arith.constant 0 : i32
    %dma_start3A_252 = tpu.memref_slice %arg6[%dma_start3A_250, %dma_start3A_251] : memref<512x64xf32, #tpu.memory_space<vmem>> -> memref<32x64xf32, #tpu.memory_space<vmem>>
    tpu.enqueue_dma source(%dma_start3A_252 : memref<32x64xf32, #tpu.memory_space<vmem>>) target(%dma_start3A_249 : memref<32x64xf32, #tpu.memory_space<hbm>>) target_semaphore(%arg7 : memref<!tpu.dma_semaphore, #tpu.memory_space<semaphore_mem>>)
    %add3A_253 = arith.constant 12 : i32
    %add3A_254 = arith.addi %select_n3A_60, %add3A_253 : i32
    %dma_start3A_255 = arith.constant 384 : i32
    %dma_start3A_256 = arith.constant 0 : i32
    %dma_start3A_257 = tpu.memref_slice %arg6[%dma_start3A_255, %dma_start3A_256] : memref<512x64xf32, #tpu.memory_space<vmem>> -> memref<32x64xf32, #tpu.memory_space<vmem>>
    %dma_start3A_258 = arith.constant 0 : i32
    %dma_start3A_259 = arith.constant 0 : i32
    %dma_start3A_260 = tpu.memref_slice %arg4[%select_n3A, %add3A_254, %dma_start3A_258, %dma_start3A_259] : memref<16x32x32x64xf32, #tpu.memory_space<hbm>> -> memref<1x1x32x64xf32, #tpu.memory_space<hbm>>
    %dma_start3A_261 = tpu.memref_squeeze %dma_start3A_260 : memref<1x1x32x64xf32, #tpu.memory_space<hbm>> -> memref<32x64xf32, #tpu.memory_space<hbm>>
    %dma_start3A_262 = arith.constant 0 : i32
    %dma_start3A_263 = arith.constant 0 : i32
    %dma_start3A_264 = tpu.memref_slice %arg4[%select_n3A, %add3A_254, %dma_start3A_262, %dma_start3A_263] : memref<16x32x32x64xf32, #tpu.memory_space<hbm>> -> memref<1x1x32x64xf32, #tpu.memory_space<hbm>>
    %dma_start3A_265 = tpu.memref_squeeze %dma_start3A_264 : memref<1x1x32x64xf32, #tpu.memory_space<hbm>> -> memref<32x64xf32, #tpu.memory_space<hbm>>
    %dma_start3A_266 = arith.constant 384 : i32
    %dma_start3A_267 = arith.constant 0 : i32
    %dma_start3A_268 = tpu.memref_slice %arg6[%dma_start3A_266, %dma_start3A_267] : memref<512x64xf32, #tpu.memory_space<vmem>> -> memref<32x64xf32, #tpu.memory_space<vmem>>
    tpu.enqueue_dma source(%dma_start3A_268 : memref<32x64xf32, #tpu.memory_space<vmem>>) target(%dma_start3A_265 : memref<32x64xf32, #tpu.memory_space<hbm>>) target_semaphore(%arg7 : memref<!tpu.dma_semaphore, #tpu.memory_space<semaphore_mem>>)
    %add3A_269 = arith.constant 13 : i32
    %add3A_270 = arith.addi %select_n3A_60, %add3A_269 : i32
    %dma_start3A_271 = arith.constant 416 : i32
    %dma_start3A_272 = arith.constant 0 : i32
    %dma_start3A_273 = tpu.memref_slice %arg6[%dma_start3A_271, %dma_start3A_272] : memref<512x64xf32, #tpu.memory_space<vmem>> -> memref<32x64xf32, #tpu.memory_space<vmem>>
    %dma_start3A_274 = arith.constant 0 : i32
    %dma_start3A_275 = arith.constant 0 : i32
    %dma_start3A_276 = tpu.memref_slice %arg4[%select_n3A, %add3A_270, %dma_start3A_274, %dma_start3A_275] : memref<16x32x32x64xf32, #tpu.memory_space<hbm>> -> memref<1x1x32x64xf32, #tpu.memory_space<hbm>>
    %dma_start3A_277 = tpu.memref_squeeze %dma_start3A_276 : memref<1x1x32x64xf32, #tpu.memory_space<hbm>> -> memref<32x64xf32, #tpu.memory_space<hbm>>
    %dma_start3A_278 = arith.constant 0 : i32
    %dma_start3A_279 = arith.constant 0 : i32
    %dma_start3A_280 = tpu.memref_slice %arg4[%select_n3A, %add3A_270, %dma_start3A_278, %dma_start3A_279] : memref<16x32x32x64xf32, #tpu.memory_space<hbm>> -> memref<1x1x32x64xf32, #tpu.memory_space<hbm>>
    %dma_start3A_281 = tpu.memref_squeeze %dma_start3A_280 : memref<1x1x32x64xf32, #tpu.memory_space<hbm>> -> memref<32x64xf32, #tpu.memory_space<hbm>>
    %dma_start3A_282 = arith.constant 416 : i32
    %dma_start3A_283 = arith.constant 0 : i32
    %dma_start3A_284 = tpu.memref_slice %arg6[%dma_start3A_282, %dma_start3A_283] : memref<512x64xf32, #tpu.memory_space<vmem>> -> memref<32x64xf32, #tpu.memory_space<vmem>>
    tpu.enqueue_dma source(%dma_start3A_284 : memref<32x64xf32, #tpu.memory_space<vmem>>) target(%dma_start3A_281 : memref<32x64xf32, #tpu.memory_space<hbm>>) target_semaphore(%arg7 : memref<!tpu.dma_semaphore, #tpu.memory_space<semaphore_mem>>)
    %add3A_285 = arith.constant 14 : i32
    %add3A_286 = arith.addi %select_n3A_60, %add3A_285 : i32
    %dma_start3A_287 = arith.constant 448 : i32
    %dma_start3A_288 = arith.constant 0 : i32
    %dma_start3A_289 = tpu.memref_slice %arg6[%dma_start3A_287, %dma_start3A_288] : memref<512x64xf32, #tpu.memory_space<vmem>> -> memref<32x64xf32, #tpu.memory_space<vmem>>
    %dma_start3A_290 = arith.constant 0 : i32
    %dma_start3A_291 = arith.constant 0 : i32
    %dma_start3A_292 = tpu.memref_slice %arg4[%select_n3A, %add3A_286, %dma_start3A_290, %dma_start3A_291] : memref<16x32x32x64xf32, #tpu.memory_space<hbm>> -> memref<1x1x32x64xf32, #tpu.memory_space<hbm>>
    %dma_start3A_293 = tpu.memref_squeeze %dma_start3A_292 : memref<1x1x32x64xf32, #tpu.memory_space<hbm>> -> memref<32x64xf32, #tpu.memory_space<hbm>>
    %dma_start3A_294 = arith.constant 0 : i32
    %dma_start3A_295 = arith.constant 0 : i32
    %dma_start3A_296 = tpu.memref_slice %arg4[%select_n3A, %add3A_286, %dma_start3A_294, %dma_start3A_295] : memref<16x32x32x64xf32, #tpu.memory_space<hbm>> -> memref<1x1x32x64xf32, #tpu.memory_space<hbm>>
    %dma_start3A_297 = tpu.memref_squeeze %dma_start3A_296 : memref<1x1x32x64xf32, #tpu.memory_space<hbm>> -> memref<32x64xf32, #tpu.memory_space<hbm>>
    %dma_start3A_298 = arith.constant 448 : i32
    %dma_start3A_299 = arith.constant 0 : i32
    %dma_start3A_300 = tpu.memref_slice %arg6[%dma_start3A_298, %dma_start3A_299] : memref<512x64xf32, #tpu.memory_space<vmem>> -> memref<32x64xf32, #tpu.memory_space<vmem>>
    tpu.enqueue_dma source(%dma_start3A_300 : memref<32x64xf32, #tpu.memory_space<vmem>>) target(%dma_start3A_297 : memref<32x64xf32, #tpu.memory_space<hbm>>) target_semaphore(%arg7 : memref<!tpu.dma_semaphore, #tpu.memory_space<semaphore_mem>>)
    %add3A_301 = arith.constant 15 : i32
    %add3A_302 = arith.addi %select_n3A_60, %add3A_301 : i32
    %dma_start3A_303 = arith.constant 480 : i32
    %dma_start3A_304 = arith.constant 0 : i32
    %dma_start3A_305 = tpu.memref_slice %arg6[%dma_start3A_303, %dma_start3A_304] : memref<512x64xf32, #tpu.memory_space<vmem>> -> memref<32x64xf32, #tpu.memory_space<vmem>>
    %dma_start3A_306 = arith.constant 0 : i32
    %dma_start3A_307 = arith.constant 0 : i32
    %dma_start3A_308 = tpu.memref_slice %arg4[%select_n3A, %add3A_302, %dma_start3A_306, %dma_start3A_307] : memref<16x32x32x64xf32, #tpu.memory_space<hbm>> -> memref<1x1x32x64xf32, #tpu.memory_space<hbm>>
    %dma_start3A_309 = tpu.memref_squeeze %dma_start3A_308 : memref<1x1x32x64xf32, #tpu.memory_space<hbm>> -> memref<32x64xf32, #tpu.memory_space<hbm>>
    %dma_start3A_310 = arith.constant 0 : i32
    %dma_start3A_311 = arith.constant 0 : i32
    %dma_start3A_312 = tpu.memref_slice %arg4[%select_n3A, %add3A_302, %dma_start3A_310, %dma_start3A_311] : memref<16x32x32x64xf32, #tpu.memory_space<hbm>> -> memref<1x1x32x64xf32, #tpu.memory_space<hbm>>
    %dma_start3A_313 = tpu.memref_squeeze %dma_start3A_312 : memref<1x1x32x64xf32, #tpu.memory_space<hbm>> -> memref<32x64xf32, #tpu.memory_space<hbm>>
    %dma_start3A_314 = arith.constant 480 : i32
    %dma_start3A_315 = arith.constant 0 : i32
    %dma_start3A_316 = tpu.memref_slice %arg6[%dma_start3A_314, %dma_start3A_315] : memref<512x64xf32, #tpu.memory_space<vmem>> -> memref<32x64xf32, #tpu.memory_space<vmem>>
    tpu.enqueue_dma source(%dma_start3A_316 : memref<32x64xf32, #tpu.memory_space<vmem>>) target(%dma_start3A_313 : memref<32x64xf32, #tpu.memory_space<hbm>>) target_semaphore(%arg7 : memref<!tpu.dma_semaphore, #tpu.memory_space<semaphore_mem>>)
    %dma_wait3A_317 = arith.constant 0 : i32
    %dma_wait3A_318 = arith.constant 0 : i32
    %dma_wait3A_319 = tpu.memref_slice %arg6[%dma_wait3A_317, %dma_wait3A_318] : memref<512x64xf32, #tpu.memory_space<vmem>> -> memref<32x64xf32, #tpu.memory_space<vmem>>
    %dma_wait3A_320 = arith.constant 0 : i32
    %dma_wait3A_321 = arith.constant 0 : i32
    %dma_wait3A_322 = tpu.memref_slice %arg4[%select_n3A, %add3A_62, %dma_wait3A_320, %dma_wait3A_321] : memref<16x32x32x64xf32, #tpu.memory_space<hbm>> -> memref<1x1x32x64xf32, #tpu.memory_space<hbm>>
    %dma_wait3A_323 = tpu.memref_squeeze %dma_wait3A_322 : memref<1x1x32x64xf32, #tpu.memory_space<hbm>> -> memref<32x64xf32, #tpu.memory_space<hbm>>
    %dma_wait3A_324 = arith.constant 0 : i32
    %dma_wait3A_325 = arith.constant 0 : i32
    %dma_wait3A_326 = tpu.memref_slice %arg4[%select_n3A, %add3A_62, %dma_wait3A_324, %dma_wait3A_325] : memref<16x32x32x64xf32, #tpu.memory_space<hbm>> -> memref<1x1x32x64xf32, #tpu.memory_space<hbm>>
    %dma_wait3A_327 = tpu.memref_squeeze %dma_wait3A_326 : memref<1x1x32x64xf32, #tpu.memory_space<hbm>> -> memref<32x64xf32, #tpu.memory_space<hbm>>
    %dma_wait3A_328 = arith.constant 0 : i32
    %dma_wait3A_329 = arith.constant 0 : i32
    %dma_wait3A_330 = tpu.memref_slice %arg6[%dma_wait3A_328, %dma_wait3A_329] : memref<512x64xf32, #tpu.memory_space<vmem>> -> memref<32x64xf32, #tpu.memory_space<vmem>>
    tpu.wait_dma2 semaphore(%arg7 : memref<!tpu.dma_semaphore, #tpu.memory_space<semaphore_mem>>) src(%dma_wait3A_330 : memref<32x64xf32, #tpu.memory_space<vmem>>) dst(%dma_wait3A_327 : memref<32x64xf32, #tpu.memory_space<hbm>>)
    %dma_wait3A_331 = arith.constant 32 : i32
    %dma_wait3A_332 = arith.constant 0 : i32
    %dma_wait3A_333 = tpu.memref_slice %arg6[%dma_wait3A_331, %dma_wait3A_332] : memref<512x64xf32, #tpu.memory_space<vmem>> -> memref<32x64xf32, #tpu.memory_space<vmem>>
    %dma_wait3A_334 = arith.constant 0 : i32
    %dma_wait3A_335 = arith.constant 0 : i32
    %dma_wait3A_336 = tpu.memref_slice %arg4[%select_n3A, %add3A_78, %dma_wait3A_334, %dma_wait3A_335] : memref<16x32x32x64xf32, #tpu.memory_space<hbm>> -> memref<1x1x32x64xf32, #tpu.memory_space<hbm>>
    %dma_wait3A_337 = tpu.memref_squeeze %dma_wait3A_336 : memref<1x1x32x64xf32, #tpu.memory_space<hbm>> -> memref<32x64xf32, #tpu.memory_space<hbm>>
    %dma_wait3A_338 = arith.constant 0 : i32
    %dma_wait3A_339 = arith.constant 0 : i32
    %dma_wait3A_340 = tpu.memref_slice %arg4[%select_n3A, %add3A_78, %dma_wait3A_338, %dma_wait3A_339] : memref<16x32x32x64xf32, #tpu.memory_space<hbm>> -> memref<1x1x32x64xf32, #tpu.memory_space<hbm>>
    %dma_wait3A_341 = tpu.memref_squeeze %dma_wait3A_340 : memref<1x1x32x64xf32, #tpu.memory_space<hbm>> -> memref<32x64xf32, #tpu.memory_space<hbm>>
    %dma_wait3A_342 = arith.constant 32 : i32
    %dma_wait3A_343 = arith.constant 0 : i32
    %dma_wait3A_344 = tpu.memref_slice %arg6[%dma_wait3A_342, %dma_wait3A_343] : memref<512x64xf32, #tpu.memory_space<vmem>> -> memref<32x64xf32, #tpu.memory_space<vmem>>
    tpu.wait_dma2 semaphore(%arg7 : memref<!tpu.dma_semaphore, #tpu.memory_space<semaphore_mem>>) src(%dma_wait3A_344 : memref<32x64xf32, #tpu.memory_space<vmem>>) dst(%dma_wait3A_341 : memref<32x64xf32, #tpu.memory_space<hbm>>)
    %dma_wait3A_345 = arith.constant 64 : i32
    %dma_wait3A_346 = arith.constant 0 : i32
    %dma_wait3A_347 = tpu.memref_slice %arg6[%dma_wait3A_345, %dma_wait3A_346] : memref<512x64xf32, #tpu.memory_space<vmem>> -> memref<32x64xf32, #tpu.memory_space<vmem>>
    %dma_wait3A_348 = arith.constant 0 : i32
    %dma_wait3A_349 = arith.constant 0 : i32
    %dma_wait3A_350 = tpu.memref_slice %arg4[%select_n3A, %add3A_94, %dma_wait3A_348, %dma_wait3A_349] : memref<16x32x32x64xf32, #tpu.memory_space<hbm>> -> memref<1x1x32x64xf32, #tpu.memory_space<hbm>>
    %dma_wait3A_351 = tpu.memref_squeeze %dma_wait3A_350 : memref<1x1x32x64xf32, #tpu.memory_space<hbm>> -> memref<32x64xf32, #tpu.memory_space<hbm>>
    %dma_wait3A_352 = arith.constant 0 : i32
    %dma_wait3A_353 = arith.constant 0 : i32
    %dma_wait3A_354 = tpu.memref_slice %arg4[%select_n3A, %add3A_94, %dma_wait3A_352, %dma_wait3A_353] : memref<16x32x32x64xf32, #tpu.memory_space<hbm>> -> memref<1x1x32x64xf32, #tpu.memory_space<hbm>>
    %dma_wait3A_355 = tpu.memref_squeeze %dma_wait3A_354 : memref<1x1x32x64xf32, #tpu.memory_space<hbm>> -> memref<32x64xf32, #tpu.memory_space<hbm>>
    %dma_wait3A_356 = arith.constant 64 : i32
    %dma_wait3A_357 = arith.constant 0 : i32
    %dma_wait3A_358 = tpu.memref_slice %arg6[%dma_wait3A_356, %dma_wait3A_357] : memref<512x64xf32, #tpu.memory_space<vmem>> -> memref<32x64xf32, #tpu.memory_space<vmem>>
    tpu.wait_dma2 semaphore(%arg7 : memref<!tpu.dma_semaphore, #tpu.memory_space<semaphore_mem>>) src(%dma_wait3A_358 : memref<32x64xf32, #tpu.memory_space<vmem>>) dst(%dma_wait3A_355 : memref<32x64xf32, #tpu.memory_space<hbm>>)
    %dma_wait3A_359 = arith.constant 96 : i32
    %dma_wait3A_360 = arith.constant 0 : i32
    %dma_wait3A_361 = tpu.memref_slice %arg6[%dma_wait3A_359, %dma_wait3A_360] : memref<512x64xf32, #tpu.memory_space<vmem>> -> memref<32x64xf32, #tpu.memory_space<vmem>>
    %dma_wait3A_362 = arith.constant 0 : i32
    %dma_wait3A_363 = arith.constant 0 : i32
    %dma_wait3A_364 = tpu.memref_slice %arg4[%select_n3A, %add3A_110, %dma_wait3A_362, %dma_wait3A_363] : memref<16x32x32x64xf32, #tpu.memory_space<hbm>> -> memref<1x1x32x64xf32, #tpu.memory_space<hbm>>
    %dma_wait3A_365 = tpu.memref_squeeze %dma_wait3A_364 : memref<1x1x32x64xf32, #tpu.memory_space<hbm>> -> memref<32x64xf32, #tpu.memory_space<hbm>>
    %dma_wait3A_366 = arith.constant 0 : i32
    %dma_wait3A_367 = arith.constant 0 : i32
    %dma_wait3A_368 = tpu.memref_slice %arg4[%select_n3A, %add3A_110, %dma_wait3A_366, %dma_wait3A_367] : memref<16x32x32x64xf32, #tpu.memory_space<hbm>> -> memref<1x1x32x64xf32, #tpu.memory_space<hbm>>
    %dma_wait3A_369 = tpu.memref_squeeze %dma_wait3A_368 : memref<1x1x32x64xf32, #tpu.memory_space<hbm>> -> memref<32x64xf32, #tpu.memory_space<hbm>>
    %dma_wait3A_370 = arith.constant 96 : i32
    %dma_wait3A_371 = arith.constant 0 : i32
    %dma_wait3A_372 = tpu.memref_slice %arg6[%dma_wait3A_370, %dma_wait3A_371] : memref<512x64xf32, #tpu.memory_space<vmem>> -> memref<32x64xf32, #tpu.memory_space<vmem>>
    tpu.wait_dma2 semaphore(%arg7 : memref<!tpu.dma_semaphore, #tpu.memory_space<semaphore_mem>>) src(%dma_wait3A_372 : memref<32x64xf32, #tpu.memory_space<vmem>>) dst(%dma_wait3A_369 : memref<32x64xf32, #tpu.memory_space<hbm>>)
    %dma_wait3A_373 = arith.constant 128 : i32
    %dma_wait3A_374 = arith.constant 0 : i32
    %dma_wait3A_375 = tpu.memref_slice %arg6[%dma_wait3A_373, %dma_wait3A_374] : memref<512x64xf32, #tpu.memory_space<vmem>> -> memref<32x64xf32, #tpu.memory_space<vmem>>
    %dma_wait3A_376 = arith.constant 0 : i32
    %dma_wait3A_377 = arith.constant 0 : i32
    %dma_wait3A_378 = tpu.memref_slice %arg4[%select_n3A, %add3A_126, %dma_wait3A_376, %dma_wait3A_377] : memref<16x32x32x64xf32, #tpu.memory_space<hbm>> -> memref<1x1x32x64xf32, #tpu.memory_space<hbm>>
    %dma_wait3A_379 = tpu.memref_squeeze %dma_wait3A_378 : memref<1x1x32x64xf32, #tpu.memory_space<hbm>> -> memref<32x64xf32, #tpu.memory_space<hbm>>
    %dma_wait3A_380 = arith.constant 0 : i32
    %dma_wait3A_381 = arith.constant 0 : i32
    %dma_wait3A_382 = tpu.memref_slice %arg4[%select_n3A, %add3A_126, %dma_wait3A_380, %dma_wait3A_381] : memref<16x32x32x64xf32, #tpu.memory_space<hbm>> -> memref<1x1x32x64xf32, #tpu.memory_space<hbm>>
    %dma_wait3A_383 = tpu.memref_squeeze %dma_wait3A_382 : memref<1x1x32x64xf32, #tpu.memory_space<hbm>> -> memref<32x64xf32, #tpu.memory_space<hbm>>
    %dma_wait3A_384 = arith.constant 128 : i32
    %dma_wait3A_385 = arith.constant 0 : i32
    %dma_wait3A_386 = tpu.memref_slice %arg6[%dma_wait3A_384, %dma_wait3A_385] : memref<512x64xf32, #tpu.memory_space<vmem>> -> memref<32x64xf32, #tpu.memory_space<vmem>>
    tpu.wait_dma2 semaphore(%arg7 : memref<!tpu.dma_semaphore, #tpu.memory_space<semaphore_mem>>) src(%dma_wait3A_386 : memref<32x64xf32, #tpu.memory_space<vmem>>) dst(%dma_wait3A_383 : memref<32x64xf32, #tpu.memory_space<hbm>>)
    %dma_wait3A_387 = arith.constant 160 : i32
    %dma_wait3A_388 = arith.constant 0 : i32
    %dma_wait3A_389 = tpu.memref_slice %arg6[%dma_wait3A_387, %dma_wait3A_388] : memref<512x64xf32, #tpu.memory_space<vmem>> -> memref<32x64xf32, #tpu.memory_space<vmem>>
    %dma_wait3A_390 = arith.constant 0 : i32
    %dma_wait3A_391 = arith.constant 0 : i32
    %dma_wait3A_392 = tpu.memref_slice %arg4[%select_n3A, %add3A_142, %dma_wait3A_390, %dma_wait3A_391] : memref<16x32x32x64xf32, #tpu.memory_space<hbm>> -> memref<1x1x32x64xf32, #tpu.memory_space<hbm>>
    %dma_wait3A_393 = tpu.memref_squeeze %dma_wait3A_392 : memref<1x1x32x64xf32, #tpu.memory_space<hbm>> -> memref<32x64xf32, #tpu.memory_space<hbm>>
    %dma_wait3A_394 = arith.constant 0 : i32
    %dma_wait3A_395 = arith.constant 0 : i32
    %dma_wait3A_396 = tpu.memref_slice %arg4[%select_n3A, %add3A_142, %dma_wait3A_394, %dma_wait3A_395] : memref<16x32x32x64xf32, #tpu.memory_space<hbm>> -> memref<1x1x32x64xf32, #tpu.memory_space<hbm>>
    %dma_wait3A_397 = tpu.memref_squeeze %dma_wait3A_396 : memref<1x1x32x64xf32, #tpu.memory_space<hbm>> -> memref<32x64xf32, #tpu.memory_space<hbm>>
    %dma_wait3A_398 = arith.constant 160 : i32
    %dma_wait3A_399 = arith.constant 0 : i32
    %dma_wait3A_400 = tpu.memref_slice %arg6[%dma_wait3A_398, %dma_wait3A_399] : memref<512x64xf32, #tpu.memory_space<vmem>> -> memref<32x64xf32, #tpu.memory_space<vmem>>
    tpu.wait_dma2 semaphore(%arg7 : memref<!tpu.dma_semaphore, #tpu.memory_space<semaphore_mem>>) src(%dma_wait3A_400 : memref<32x64xf32, #tpu.memory_space<vmem>>) dst(%dma_wait3A_397 : memref<32x64xf32, #tpu.memory_space<hbm>>)
    %dma_wait3A_401 = arith.constant 192 : i32
    %dma_wait3A_402 = arith.constant 0 : i32
    %dma_wait3A_403 = tpu.memref_slice %arg6[%dma_wait3A_401, %dma_wait3A_402] : memref<512x64xf32, #tpu.memory_space<vmem>> -> memref<32x64xf32, #tpu.memory_space<vmem>>
    %dma_wait3A_404 = arith.constant 0 : i32
    %dma_wait3A_405 = arith.constant 0 : i32
    %dma_wait3A_406 = tpu.memref_slice %arg4[%select_n3A, %add3A_158, %dma_wait3A_404, %dma_wait3A_405] : memref<16x32x32x64xf32, #tpu.memory_space<hbm>> -> memref<1x1x32x64xf32, #tpu.memory_space<hbm>>
    %dma_wait3A_407 = tpu.memref_squeeze %dma_wait3A_406 : memref<1x1x32x64xf32, #tpu.memory_space<hbm>> -> memref<32x64xf32, #tpu.memory_space<hbm>>
    %dma_wait3A_408 = arith.constant 0 : i32
    %dma_wait3A_409 = arith.constant 0 : i32
    %dma_wait3A_410 = tpu.memref_slice %arg4[%select_n3A, %add3A_158, %dma_wait3A_408, %dma_wait3A_409] : memref<16x32x32x64xf32, #tpu.memory_space<hbm>> -> memref<1x1x32x64xf32, #tpu.memory_space<hbm>>
    %dma_wait3A_411 = tpu.memref_squeeze %dma_wait3A_410 : memref<1x1x32x64xf32, #tpu.memory_space<hbm>> -> memref<32x64xf32, #tpu.memory_space<hbm>>
    %dma_wait3A_412 = arith.constant 192 : i32
    %dma_wait3A_413 = arith.constant 0 : i32
    %dma_wait3A_414 = tpu.memref_slice %arg6[%dma_wait3A_412, %dma_wait3A_413] : memref<512x64xf32, #tpu.memory_space<vmem>> -> memref<32x64xf32, #tpu.memory_space<vmem>>
    tpu.wait_dma2 semaphore(%arg7 : memref<!tpu.dma_semaphore, #tpu.memory_space<semaphore_mem>>) src(%dma_wait3A_414 : memref<32x64xf32, #tpu.memory_space<vmem>>) dst(%dma_wait3A_411 : memref<32x64xf32, #tpu.memory_space<hbm>>)
    %dma_wait3A_415 = arith.constant 224 : i32
    %dma_wait3A_416 = arith.constant 0 : i32
    %dma_wait3A_417 = tpu.memref_slice %arg6[%dma_wait3A_415, %dma_wait3A_416] : memref<512x64xf32, #tpu.memory_space<vmem>> -> memref<32x64xf32, #tpu.memory_space<vmem>>
    %dma_wait3A_418 = arith.constant 0 : i32
    %dma_wait3A_419 = arith.constant 0 : i32
    %dma_wait3A_420 = tpu.memref_slice %arg4[%select_n3A, %add3A_174, %dma_wait3A_418, %dma_wait3A_419] : memref<16x32x32x64xf32, #tpu.memory_space<hbm>> -> memref<1x1x32x64xf32, #tpu.memory_space<hbm>>
    %dma_wait3A_421 = tpu.memref_squeeze %dma_wait3A_420 : memref<1x1x32x64xf32, #tpu.memory_space<hbm>> -> memref<32x64xf32, #tpu.memory_space<hbm>>
    %dma_wait3A_422 = arith.constant 0 : i32
    %dma_wait3A_423 = arith.constant 0 : i32
    %dma_wait3A_424 = tpu.memref_slice %arg4[%select_n3A, %add3A_174, %dma_wait3A_422, %dma_wait3A_423] : memref<16x32x32x64xf32, #tpu.memory_space<hbm>> -> memref<1x1x32x64xf32, #tpu.memory_space<hbm>>
    %dma_wait3A_425 = tpu.memref_squeeze %dma_wait3A_424 : memref<1x1x32x64xf32, #tpu.memory_space<hbm>> -> memref<32x64xf32, #tpu.memory_space<hbm>>
    %dma_wait3A_426 = arith.constant 224 : i32
    %dma_wait3A_427 = arith.constant 0 : i32
    %dma_wait3A_428 = tpu.memref_slice %arg6[%dma_wait3A_426, %dma_wait3A_427] : memref<512x64xf32, #tpu.memory_space<vmem>> -> memref<32x64xf32, #tpu.memory_space<vmem>>
    tpu.wait_dma2 semaphore(%arg7 : memref<!tpu.dma_semaphore, #tpu.memory_space<semaphore_mem>>) src(%dma_wait3A_428 : memref<32x64xf32, #tpu.memory_space<vmem>>) dst(%dma_wait3A_425 : memref<32x64xf32, #tpu.memory_space<hbm>>)
    %dma_wait3A_429 = arith.constant 256 : i32
    %dma_wait3A_430 = arith.constant 0 : i32
    %dma_wait3A_431 = tpu.memref_slice %arg6[%dma_wait3A_429, %dma_wait3A_430] : memref<512x64xf32, #tpu.memory_space<vmem>> -> memref<32x64xf32, #tpu.memory_space<vmem>>
    %dma_wait3A_432 = arith.constant 0 : i32
    %dma_wait3A_433 = arith.constant 0 : i32
    %dma_wait3A_434 = tpu.memref_slice %arg4[%select_n3A, %add3A_190, %dma_wait3A_432, %dma_wait3A_433] : memref<16x32x32x64xf32, #tpu.memory_space<hbm>> -> memref<1x1x32x64xf32, #tpu.memory_space<hbm>>
    %dma_wait3A_435 = tpu.memref_squeeze %dma_wait3A_434 : memref<1x1x32x64xf32, #tpu.memory_space<hbm>> -> memref<32x64xf32, #tpu.memory_space<hbm>>
    %dma_wait3A_436 = arith.constant 0 : i32
    %dma_wait3A_437 = arith.constant 0 : i32
    %dma_wait3A_438 = tpu.memref_slice %arg4[%select_n3A, %add3A_190, %dma_wait3A_436, %dma_wait3A_437] : memref<16x32x32x64xf32, #tpu.memory_space<hbm>> -> memref<1x1x32x64xf32, #tpu.memory_space<hbm>>
    %dma_wait3A_439 = tpu.memref_squeeze %dma_wait3A_438 : memref<1x1x32x64xf32, #tpu.memory_space<hbm>> -> memref<32x64xf32, #tpu.memory_space<hbm>>
    %dma_wait3A_440 = arith.constant 256 : i32
    %dma_wait3A_441 = arith.constant 0 : i32
    %dma_wait3A_442 = tpu.memref_slice %arg6[%dma_wait3A_440, %dma_wait3A_441] : memref<512x64xf32, #tpu.memory_space<vmem>> -> memref<32x64xf32, #tpu.memory_space<vmem>>
    tpu.wait_dma2 semaphore(%arg7 : memref<!tpu.dma_semaphore, #tpu.memory_space<semaphore_mem>>) src(%dma_wait3A_442 : memref<32x64xf32, #tpu.memory_space<vmem>>) dst(%dma_wait3A_439 : memref<32x64xf32, #tpu.memory_space<hbm>>)
    %dma_wait3A_443 = arith.constant 288 : i32
    %dma_wait3A_444 = arith.constant 0 : i32
    %dma_wait3A_445 = tpu.memref_slice %arg6[%dma_wait3A_443, %dma_wait3A_444] : memref<512x64xf32, #tpu.memory_space<vmem>> -> memref<32x64xf32, #tpu.memory_space<vmem>>
    %dma_wait3A_446 = arith.constant 0 : i32
    %dma_wait3A_447 = arith.constant 0 : i32
    %dma_wait3A_448 = tpu.memref_slice %arg4[%select_n3A, %add3A_206, %dma_wait3A_446, %dma_wait3A_447] : memref<16x32x32x64xf32, #tpu.memory_space<hbm>> -> memref<1x1x32x64xf32, #tpu.memory_space<hbm>>
    %dma_wait3A_449 = tpu.memref_squeeze %dma_wait3A_448 : memref<1x1x32x64xf32, #tpu.memory_space<hbm>> -> memref<32x64xf32, #tpu.memory_space<hbm>>
    %dma_wait3A_450 = arith.constant 0 : i32
    %dma_wait3A_451 = arith.constant 0 : i32
    %dma_wait3A_452 = tpu.memref_slice %arg4[%select_n3A, %add3A_206, %dma_wait3A_450, %dma_wait3A_451] : memref<16x32x32x64xf32, #tpu.memory_space<hbm>> -> memref<1x1x32x64xf32, #tpu.memory_space<hbm>>
    %dma_wait3A_453 = tpu.memref_squeeze %dma_wait3A_452 : memref<1x1x32x64xf32, #tpu.memory_space<hbm>> -> memref<32x64xf32, #tpu.memory_space<hbm>>
    %dma_wait3A_454 = arith.constant 288 : i32
    %dma_wait3A_455 = arith.constant 0 : i32
    %dma_wait3A_456 = tpu.memref_slice %arg6[%dma_wait3A_454, %dma_wait3A_455] : memref<512x64xf32, #tpu.memory_space<vmem>> -> memref<32x64xf32, #tpu.memory_space<vmem>>
    tpu.wait_dma2 semaphore(%arg7 : memref<!tpu.dma_semaphore, #tpu.memory_space<semaphore_mem>>) src(%dma_wait3A_456 : memref<32x64xf32, #tpu.memory_space<vmem>>) dst(%dma_wait3A_453 : memref<32x64xf32, #tpu.memory_space<hbm>>)
    %dma_wait3A_457 = arith.constant 320 : i32
    %dma_wait3A_458 = arith.constant 0 : i32
    %dma_wait3A_459 = tpu.memref_slice %arg6[%dma_wait3A_457, %dma_wait3A_458] : memref<512x64xf32, #tpu.memory_space<vmem>> -> memref<32x64xf32, #tpu.memory_space<vmem>>
    %dma_wait3A_460 = arith.constant 0 : i32
    %dma_wait3A_461 = arith.constant 0 : i32
    %dma_wait3A_462 = tpu.memref_slice %arg4[%select_n3A, %add3A_222, %dma_wait3A_460, %dma_wait3A_461] : memref<16x32x32x64xf32, #tpu.memory_space<hbm>> -> memref<1x1x32x64xf32, #tpu.memory_space<hbm>>
    %dma_wait3A_463 = tpu.memref_squeeze %dma_wait3A_462 : memref<1x1x32x64xf32, #tpu.memory_space<hbm>> -> memref<32x64xf32, #tpu.memory_space<hbm>>
    %dma_wait3A_464 = arith.constant 0 : i32
    %dma_wait3A_465 = arith.constant 0 : i32
    %dma_wait3A_466 = tpu.memref_slice %arg4[%select_n3A, %add3A_222, %dma_wait3A_464, %dma_wait3A_465] : memref<16x32x32x64xf32, #tpu.memory_space<hbm>> -> memref<1x1x32x64xf32, #tpu.memory_space<hbm>>
    %dma_wait3A_467 = tpu.memref_squeeze %dma_wait3A_466 : memref<1x1x32x64xf32, #tpu.memory_space<hbm>> -> memref<32x64xf32, #tpu.memory_space<hbm>>
    %dma_wait3A_468 = arith.constant 320 : i32
    %dma_wait3A_469 = arith.constant 0 : i32
    %dma_wait3A_470 = tpu.memref_slice %arg6[%dma_wait3A_468, %dma_wait3A_469] : memref<512x64xf32, #tpu.memory_space<vmem>> -> memref<32x64xf32, #tpu.memory_space<vmem>>
    tpu.wait_dma2 semaphore(%arg7 : memref<!tpu.dma_semaphore, #tpu.memory_space<semaphore_mem>>) src(%dma_wait3A_470 : memref<32x64xf32, #tpu.memory_space<vmem>>) dst(%dma_wait3A_467 : memref<32x64xf32, #tpu.memory_space<hbm>>)
    %dma_wait3A_471 = arith.constant 352 : i32
    %dma_wait3A_472 = arith.constant 0 : i32
    %dma_wait3A_473 = tpu.memref_slice %arg6[%dma_wait3A_471, %dma_wait3A_472] : memref<512x64xf32, #tpu.memory_space<vmem>> -> memref<32x64xf32, #tpu.memory_space<vmem>>
    %dma_wait3A_474 = arith.constant 0 : i32
    %dma_wait3A_475 = arith.constant 0 : i32
    %dma_wait3A_476 = tpu.memref_slice %arg4[%select_n3A, %add3A_238, %dma_wait3A_474, %dma_wait3A_475] : memref<16x32x32x64xf32, #tpu.memory_space<hbm>> -> memref<1x1x32x64xf32, #tpu.memory_space<hbm>>
    %dma_wait3A_477 = tpu.memref_squeeze %dma_wait3A_476 : memref<1x1x32x64xf32, #tpu.memory_space<hbm>> -> memref<32x64xf32, #tpu.memory_space<hbm>>
    %dma_wait3A_478 = arith.constant 0 : i32
    %dma_wait3A_479 = arith.constant 0 : i32
    %dma_wait3A_480 = tpu.memref_slice %arg4[%select_n3A, %add3A_238, %dma_wait3A_478, %dma_wait3A_479] : memref<16x32x32x64xf32, #tpu.memory_space<hbm>> -> memref<1x1x32x64xf32, #tpu.memory_space<hbm>>
    %dma_wait3A_481 = tpu.memref_squeeze %dma_wait3A_480 : memref<1x1x32x64xf32, #tpu.memory_space<hbm>> -> memref<32x64xf32, #tpu.memory_space<hbm>>
    %dma_wait3A_482 = arith.constant 352 : i32
    %dma_wait3A_483 = arith.constant 0 : i32
    %dma_wait3A_484 = tpu.memref_slice %arg6[%dma_wait3A_482, %dma_wait3A_483] : memref<512x64xf32, #tpu.memory_space<vmem>> -> memref<32x64xf32, #tpu.memory_space<vmem>>
    tpu.wait_dma2 semaphore(%arg7 : memref<!tpu.dma_semaphore, #tpu.memory_space<semaphore_mem>>) src(%dma_wait3A_484 : memref<32x64xf32, #tpu.memory_space<vmem>>) dst(%dma_wait3A_481 : memref<32x64xf32, #tpu.memory_space<hbm>>)
    %dma_wait3A_485 = arith.constant 384 : i32
    %dma_wait3A_486 = arith.constant 0 : i32
    %dma_wait3A_487 = tpu.memref_slice %arg6[%dma_wait3A_485, %dma_wait3A_486] : memref<512x64xf32, #tpu.memory_space<vmem>> -> memref<32x64xf32, #tpu.memory_space<vmem>>
    %dma_wait3A_488 = arith.constant 0 : i32
    %dma_wait3A_489 = arith.constant 0 : i32
    %dma_wait3A_490 = tpu.memref_slice %arg4[%select_n3A, %add3A_254, %dma_wait3A_488, %dma_wait3A_489] : memref<16x32x32x64xf32, #tpu.memory_space<hbm>> -> memref<1x1x32x64xf32, #tpu.memory_space<hbm>>
    %dma_wait3A_491 = tpu.memref_squeeze %dma_wait3A_490 : memref<1x1x32x64xf32, #tpu.memory_space<hbm>> -> memref<32x64xf32, #tpu.memory_space<hbm>>
    %dma_wait3A_492 = arith.constant 0 : i32
    %dma_wait3A_493 = arith.constant 0 : i32
    %dma_wait3A_494 = tpu.memref_slice %arg4[%select_n3A, %add3A_254, %dma_wait3A_492, %dma_wait3A_493] : memref<16x32x32x64xf32, #tpu.memory_space<hbm>> -> memref<1x1x32x64xf32, #tpu.memory_space<hbm>>
    %dma_wait3A_495 = tpu.memref_squeeze %dma_wait3A_494 : memref<1x1x32x64xf32, #tpu.memory_space<hbm>> -> memref<32x64xf32, #tpu.memory_space<hbm>>
    %dma_wait3A_496 = arith.constant 384 : i32
    %dma_wait3A_497 = arith.constant 0 : i32
    %dma_wait3A_498 = tpu.memref_slice %arg6[%dma_wait3A_496, %dma_wait3A_497] : memref<512x64xf32, #tpu.memory_space<vmem>> -> memref<32x64xf32, #tpu.memory_space<vmem>>
    tpu.wait_dma2 semaphore(%arg7 : memref<!tpu.dma_semaphore, #tpu.memory_space<semaphore_mem>>) src(%dma_wait3A_498 : memref<32x64xf32, #tpu.memory_space<vmem>>) dst(%dma_wait3A_495 : memref<32x64xf32, #tpu.memory_space<hbm>>)
    %dma_wait3A_499 = arith.constant 416 : i32
    %dma_wait3A_500 = arith.constant 0 : i32
    %dma_wait3A_501 = tpu.memref_slice %arg6[%dma_wait3A_499, %dma_wait3A_500] : memref<512x64xf32, #tpu.memory_space<vmem>> -> memref<32x64xf32, #tpu.memory_space<vmem>>
    %dma_wait3A_502 = arith.constant 0 : i32
    %dma_wait3A_503 = arith.constant 0 : i32
    %dma_wait3A_504 = tpu.memref_slice %arg4[%select_n3A, %add3A_270, %dma_wait3A_502, %dma_wait3A_503] : memref<16x32x32x64xf32, #tpu.memory_space<hbm>> -> memref<1x1x32x64xf32, #tpu.memory_space<hbm>>
    %dma_wait3A_505 = tpu.memref_squeeze %dma_wait3A_504 : memref<1x1x32x64xf32, #tpu.memory_space<hbm>> -> memref<32x64xf32, #tpu.memory_space<hbm>>
    %dma_wait3A_506 = arith.constant 0 : i32
    %dma_wait3A_507 = arith.constant 0 : i32
    %dma_wait3A_508 = tpu.memref_slice %arg4[%select_n3A, %add3A_270, %dma_wait3A_506, %dma_wait3A_507] : memref<16x32x32x64xf32, #tpu.memory_space<hbm>> -> memref<1x1x32x64xf32, #tpu.memory_space<hbm>>
    %dma_wait3A_509 = tpu.memref_squeeze %dma_wait3A_508 : memref<1x1x32x64xf32, #tpu.memory_space<hbm>> -> memref<32x64xf32, #tpu.memory_space<hbm>>
    %dma_wait3A_510 = arith.constant 416 : i32
    %dma_wait3A_511 = arith.constant 0 : i32
    %dma_wait3A_512 = tpu.memref_slice %arg6[%dma_wait3A_510, %dma_wait3A_511] : memref<512x64xf32, #tpu.memory_space<vmem>> -> memref<32x64xf32, #tpu.memory_space<vmem>>
    tpu.wait_dma2 semaphore(%arg7 : memref<!tpu.dma_semaphore, #tpu.memory_space<semaphore_mem>>) src(%dma_wait3A_512 : memref<32x64xf32, #tpu.memory_space<vmem>>) dst(%dma_wait3A_509 : memref<32x64xf32, #tpu.memory_space<hbm>>)
    %dma_wait3A_513 = arith.constant 448 : i32
    %dma_wait3A_514 = arith.constant 0 : i32
    %dma_wait3A_515 = tpu.memref_slice %arg6[%dma_wait3A_513, %dma_wait3A_514] : memref<512x64xf32, #tpu.memory_space<vmem>> -> memref<32x64xf32, #tpu.memory_space<vmem>>
    %dma_wait3A_516 = arith.constant 0 : i32
    %dma_wait3A_517 = arith.constant 0 : i32
    %dma_wait3A_518 = tpu.memref_slice %arg4[%select_n3A, %add3A_286, %dma_wait3A_516, %dma_wait3A_517] : memref<16x32x32x64xf32, #tpu.memory_space<hbm>> -> memref<1x1x32x64xf32, #tpu.memory_space<hbm>>
    %dma_wait3A_519 = tpu.memref_squeeze %dma_wait3A_518 : memref<1x1x32x64xf32, #tpu.memory_space<hbm>> -> memref<32x64xf32, #tpu.memory_space<hbm>>
    %dma_wait3A_520 = arith.constant 0 : i32
    %dma_wait3A_521 = arith.constant 0 : i32
    %dma_wait3A_522 = tpu.memref_slice %arg4[%select_n3A, %add3A_286, %dma_wait3A_520, %dma_wait3A_521] : memref<16x32x32x64xf32, #tpu.memory_space<hbm>> -> memref<1x1x32x64xf32, #tpu.memory_space<hbm>>
    %dma_wait3A_523 = tpu.memref_squeeze %dma_wait3A_522 : memref<1x1x32x64xf32, #tpu.memory_space<hbm>> -> memref<32x64xf32, #tpu.memory_space<hbm>>
    %dma_wait3A_524 = arith.constant 448 : i32
    %dma_wait3A_525 = arith.constant 0 : i32
    %dma_wait3A_526 = tpu.memref_slice %arg6[%dma_wait3A_524, %dma_wait3A_525] : memref<512x64xf32, #tpu.memory_space<vmem>> -> memref<32x64xf32, #tpu.memory_space<vmem>>
    tpu.wait_dma2 semaphore(%arg7 : memref<!tpu.dma_semaphore, #tpu.memory_space<semaphore_mem>>) src(%dma_wait3A_526 : memref<32x64xf32, #tpu.memory_space<vmem>>) dst(%dma_wait3A_523 : memref<32x64xf32, #tpu.memory_space<hbm>>)
    %dma_wait3A_527 = arith.constant 480 : i32
    %dma_wait3A_528 = arith.constant 0 : i32
    %dma_wait3A_529 = tpu.memref_slice %arg6[%dma_wait3A_527, %dma_wait3A_528] : memref<512x64xf32, #tpu.memory_space<vmem>> -> memref<32x64xf32, #tpu.memory_space<vmem>>
    %dma_wait3A_530 = arith.constant 0 : i32
    %dma_wait3A_531 = arith.constant 0 : i32
    %dma_wait3A_532 = tpu.memref_slice %arg4[%select_n3A, %add3A_302, %dma_wait3A_530, %dma_wait3A_531] : memref<16x32x32x64xf32, #tpu.memory_space<hbm>> -> memref<1x1x32x64xf32, #tpu.memory_space<hbm>>
    %dma_wait3A_533 = tpu.memref_squeeze %dma_wait3A_532 : memref<1x1x32x64xf32, #tpu.memory_space<hbm>> -> memref<32x64xf32, #tpu.memory_space<hbm>>
    %dma_wait3A_534 = arith.constant 0 : i32
    %dma_wait3A_535 = arith.constant 0 : i32
    %dma_wait3A_536 = tpu.memref_slice %arg4[%select_n3A, %add3A_302, %dma_wait3A_534, %dma_wait3A_535] : memref<16x32x32x64xf32, #tpu.memory_space<hbm>> -> memref<1x1x32x64xf32, #tpu.memory_space<hbm>>
    %dma_wait3A_537 = tpu.memref_squeeze %dma_wait3A_536 : memref<1x1x32x64xf32, #tpu.memory_space<hbm>> -> memref<32x64xf32, #tpu.memory_space<hbm>>
    %dma_wait3A_538 = arith.constant 480 : i32
    %dma_wait3A_539 = arith.constant 0 : i32
    %dma_wait3A_540 = tpu.memref_slice %arg6[%dma_wait3A_538, %dma_wait3A_539] : memref<512x64xf32, #tpu.memory_space<vmem>> -> memref<32x64xf32, #tpu.memory_space<vmem>>
    tpu.wait_dma2 semaphore(%arg7 : memref<!tpu.dma_semaphore, #tpu.memory_space<semaphore_mem>>) src(%dma_wait3A_540 : memref<32x64xf32, #tpu.memory_space<vmem>>) dst(%dma_wait3A_537 : memref<32x64xf32, #tpu.memory_space<hbm>>)
    return
  }
}

module attributes {stable_mosaic.version = 14 : i64} {
  func.func @_argmin_loss_body(%arg0: i32, %arg1: memref<8192x64xf32, #tpu.memory_space<vmem>>, %arg2: memref<64x1024xf32, #tpu.memory_space<vmem>>, %arg3: memref<8192xi32, #tpu.memory_space<vmem>>, %arg4: memref<1x1xf32, #tpu.memory_space<smem>>) attributes {dimension_semantics = [#tpu.dimension_semantics<arbitrary>], iteration_bounds = array<i64: 2>, scalar_prefetch = 0 : i64, scratch_operands = 0 : i64, tpu.core_type = #tpu.core_type<tc>, window_params = [{transform_indices = @transform_0, window_bounds = array<i64: 8192, 64>}, {pipeline_mode = #tpu.pipeline_mode<synchronous>, transform_indices = @transform_1, window_bounds = array<i64: 64, 1024>}, {transform_indices = @transform_2, window_bounds = array<i64: 8192>}, {transform_indices = @transform_3, window_bounds = array<i64: 1, 1>}]} {
    %get3A = arith.constant 0 : index
    %get3A_0 = arith.constant 0 : index
    %get3A_1 = vector.load %arg1[%get3A, %get3A_0] : memref<8192x64xf32, #tpu.memory_space<vmem>>, vector<8192x64xf32>
    %get3A_2 = arith.constant 0 : index
    %get3A_3 = arith.constant 0 : index
    %get3A_4 = vector.load %arg2[%get3A_2, %get3A_3] : memref<64x1024xf32, #tpu.memory_space<vmem>>, vector<64x1024xf32>
    %mul3A = arith.mulf %get3A_1, %get3A_1 : vector<8192x64xf32>
    %reduce_sum3A = arith.constant dense<0.000000e+00> : vector<8192xf32>
    %reduce_sum3A_5 = vector.multi_reduction <add>, %mul3A, %reduce_sum3A [1] : vector<8192x64xf32> to vector<8192xf32>
    %broadcast_in_dim3A = vector.shape_cast %reduce_sum3A_5 : vector<8192xf32> to vector<8192x1xf32>
    %mul3A_6 = arith.mulf %get3A_4, %get3A_4 : vector<64x1024xf32>
    %reduce_sum3A_7 = arith.constant dense<0.000000e+00> : vector<1024xf32>
    %reduce_sum3A_8 = vector.multi_reduction <add>, %mul3A_6, %reduce_sum3A_7 [0] : vector<64x1024xf32> to vector<1024xf32>
    %broadcast_in_dim3A_9 = vector.shape_cast %reduce_sum3A_8 : vector<1024xf32> to vector<1x1024xf32>
    %slice3A = vector.extract_strided_slice %get3A_4 {offsets = [0, 0], sizes = [64, 512], strides = [1, 1]} : vector<64x1024xf32> to vector<64x512xf32>
    %dot_general3A = arith.constant dense<0.000000e+00> : vector<8192x512xf32>
    %dot_general3A_10 = tpu.matmul %get3A_1, %slice3A, %dot_general3A {dimension_numbers = #tpu.dot_dimension_numbers<[1], [0], [0], [1], [0, 0, 1, 1], [], []>, transpose_lhs_hint = false} : vector<8192x64xf32>, vector<64x512xf32>, vector<8192x512xf32> -> vector<8192x512xf32>
    %slice3A_11 = vector.extract_strided_slice %broadcast_in_dim3A_9 {offsets = [0, 0], sizes = [1, 512], strides = [1, 1]} : vector<1x1024xf32> to vector<1x512xf32>
    %add3A = vector.broadcast %broadcast_in_dim3A : vector<8192x1xf32> to vector<8192x512xf32>
    %add3A_12 = vector.broadcast %slice3A_11 : vector<1x512xf32> to vector<8192x512xf32>
    %add3A_13 = arith.addf %add3A, %add3A_12 : vector<8192x512xf32>
    %mul3A_14 = arith.constant 2.000000e+00 : f32
    %mul3A_15 = vector.broadcast %mul3A_14 : f32 to vector<8192x512xf32>
    %mul3A_16 = arith.mulf %mul3A_15, %dot_general3A_10 : vector<8192x512xf32>
    %sub3A = arith.subf %add3A_13, %mul3A_16 : vector<8192x512xf32>
    %reduce_min3A = arith.constant dense<0x7F800000> : vector<8192xf32>
    %reduce_min3A_17 = vector.multi_reduction <minimumf>, %sub3A, %reduce_min3A [1] : vector<8192x512xf32> to vector<8192xf32>
    %broadcast_in_dim3A_18 = vector.shape_cast %reduce_min3A_17 : vector<8192xf32> to vector<8192x1xf32>
    %iota3A = tpu.iota {dimensions = array<i32: 1>} : vector<8192x512xi32>
    %convert_element_type3A = arith.sitofp %iota3A : vector<8192x512xi32> to vector<8192x512xf32>
    %eq3A = vector.broadcast %broadcast_in_dim3A_18 : vector<8192x1xf32> to vector<8192x512xf32>
    %eq3A_19 = arith.cmpf oeq, %sub3A, %eq3A : vector<8192x512xf32>
    %jit3A = arith.constant 1.024000e+03 : f32
    %broadcast_in_dim3A_20 = vector.broadcast %jit3A : f32 to vector<8192x512xf32>
    %select_n3A = arith.select %eq3A_19, %convert_element_type3A, %broadcast_in_dim3A_20 : vector<8192x512xi1>, vector<8192x512xf32>
    %reduce_min3A_21 = arith.constant dense<0x7F800000> : vector<8192xf32>
    %reduce_min3A_22 = vector.multi_reduction <minimumf>, %select_n3A, %reduce_min3A_21 [1] : vector<8192x512xf32> to vector<8192xf32>
    %add3A_23 = arith.constant 0.000000e+00 : f32
    %add3A_24 = vector.broadcast %add3A_23 : f32 to vector<8192xf32>
    %add3A_25 = arith.addf %reduce_min3A_22, %add3A_24 : vector<8192xf32>
    %slice3A_26 = vector.extract_strided_slice %get3A_4 {offsets = [0, 512], sizes = [64, 512], strides = [1, 1]} : vector<64x1024xf32> to vector<64x512xf32>
    %dot_general3A_27 = arith.constant dense<0.000000e+00> : vector<8192x512xf32>
    %dot_general3A_28 = tpu.matmul %get3A_1, %slice3A_26, %dot_general3A_27 {dimension_numbers = #tpu.dot_dimension_numbers<[1], [0], [0], [1], [0, 0, 1, 1], [], []>, transpose_lhs_hint = false} : vector<8192x64xf32>, vector<64x512xf32>, vector<8192x512xf32> -> vector<8192x512xf32>
    %slice3A_29 = vector.extract_strided_slice %broadcast_in_dim3A_9 {offsets = [0, 512], sizes = [1, 512], strides = [1, 1]} : vector<1x1024xf32> to vector<1x512xf32>
    %add3A_30 = vector.broadcast %broadcast_in_dim3A : vector<8192x1xf32> to vector<8192x512xf32>
    %add3A_31 = vector.broadcast %slice3A_29 : vector<1x512xf32> to vector<8192x512xf32>
    %add3A_32 = arith.addf %add3A_30, %add3A_31 : vector<8192x512xf32>
    %mul3A_33 = arith.constant 2.000000e+00 : f32
    %mul3A_34 = vector.broadcast %mul3A_33 : f32 to vector<8192x512xf32>
    %mul3A_35 = arith.mulf %mul3A_34, %dot_general3A_28 : vector<8192x512xf32>
    %sub3A_36 = arith.subf %add3A_32, %mul3A_35 : vector<8192x512xf32>
    %reduce_min3A_37 = arith.constant dense<0x7F800000> : vector<8192xf32>
    %reduce_min3A_38 = vector.multi_reduction <minimumf>, %sub3A_36, %reduce_min3A_37 [1] : vector<8192x512xf32> to vector<8192xf32>
    %broadcast_in_dim3A_39 = vector.shape_cast %reduce_min3A_38 : vector<8192xf32> to vector<8192x1xf32>
    %iota3A_40 = tpu.iota {dimensions = array<i32: 1>} : vector<8192x512xi32>
    %convert_element_type3A_41 = arith.sitofp %iota3A_40 : vector<8192x512xi32> to vector<8192x512xf32>
    %eq3A_42 = vector.broadcast %broadcast_in_dim3A_39 : vector<8192x1xf32> to vector<8192x512xf32>
    %eq3A_43 = arith.cmpf oeq, %sub3A_36, %eq3A_42 : vector<8192x512xf32>
    %jit3A_44 = arith.constant 1.024000e+03 : f32
    %broadcast_in_dim3A_45 = vector.broadcast %jit3A_44 : f32 to vector<8192x512xf32>
    %select_n3A_46 = arith.select %eq3A_43, %convert_element_type3A_41, %broadcast_in_dim3A_45 : vector<8192x512xi1>, vector<8192x512xf32>
    %reduce_min3A_47 = arith.constant dense<0x7F800000> : vector<8192xf32>
    %reduce_min3A_48 = vector.multi_reduction <minimumf>, %select_n3A_46, %reduce_min3A_47 [1] : vector<8192x512xf32> to vector<8192xf32>
    %add3A_49 = arith.constant 5.120000e+02 : f32
    %add3A_50 = vector.broadcast %add3A_49 : f32 to vector<8192xf32>
    %add3A_51 = arith.addf %reduce_min3A_48, %add3A_50 : vector<8192xf32>
    %squeeze3A = vector.shape_cast %broadcast_in_dim3A_39 : vector<8192x1xf32> to vector<8192xf32>
    %squeeze3A_52 = vector.shape_cast %broadcast_in_dim3A_18 : vector<8192x1xf32> to vector<8192xf32>
    %lt3A = arith.cmpf olt, %squeeze3A, %squeeze3A_52 : vector<8192xf32>
    %select_n3A_53 = arith.select %lt3A, %add3A_51, %add3A_25 : vector<8192xi1>, vector<8192xf32>
    %min3A = arith.minimumf %broadcast_in_dim3A_18, %broadcast_in_dim3A_39 : vector<8192x1xf32>
    %convert_element_type3A_54 = arith.fptosi %select_n3A_53 : vector<8192xf32> to vector<8192xi32>
    %swap3A = arith.constant 0 : index
    %swap3A_55 = vector.load %arg3[%swap3A] : memref<8192xi32, #tpu.memory_space<vmem>>, vector<8192xi32>
    tpu.vector_store %arg3[%swap3A], %convert_element_type3A_54 {strides = array<i32>} : memref<8192xi32, #tpu.memory_space<vmem>>, vector<8192xi32>,
    %eq3A_56 = arith.constant 0 : i32
    %eq3A_57 = arith.cmpi eq, %arg0, %eq3A_56 : i32
    %convert_element_type3A_58 = arith.extui %eq3A_57 : i1 to i32
    %cond3A = arith.constant 0 : i32
    %cond3A_59 = arith.cmpi ne, %convert_element_type3A_58, %cond3A : i32
    scf.if %cond3A_59 {
      %swap3A_77 = arith.constant 0.000000e+00 : f32
      %swap3A_78 = arith.constant 0 : index
      %swap3A_79 = arith.constant 0 : index
      %swap3A_80 = memref.load %arg4[%swap3A_78, %swap3A_79] : memref<1x1xf32, #tpu.memory_space<smem>>
      memref.store %swap3A_77, %arg4[%swap3A_78, %swap3A_79] : memref<1x1xf32, #tpu.memory_space<smem>>
    } else {
    }
    %get3A_60 = arith.constant 0 : index
    %get3A_61 = arith.constant 0 : index
    %get3A_62 = memref.load %arg4[%get3A_60, %get3A_61] : memref<1x1xf32, #tpu.memory_space<smem>>
    %reduce_sum3A_63 = vector.shape_cast %min3A : vector<8192x1xf32> to vector<1x8192x1xf32>
    %reduce_sum3A_64 = arith.constant dense<0.000000e+00> : vector<1xf32>
    %reduce_sum3A_65 = vector.multi_reduction <add>, %reduce_sum3A_63, %reduce_sum3A_64 [1, 2] : vector<1x8192x1xf32> to vector<1xf32>
    %reduce_sum3A_66 = vector.shape_cast %reduce_sum3A_65 : vector<1xf32> to vector<1x1x1xf32>
    %reduce_sum3A_67 = vector.extract %reduce_sum3A_66[0, 0, 0] : f32 from vector<1x1x1xf32>
    %add3A_68 = arith.addf %get3A_62, %reduce_sum3A_67 : f32
    %swap3A_69 = arith.constant 0 : index
    %swap3A_70 = arith.constant 0 : index
    %swap3A_71 = memref.load %arg4[%swap3A_69, %swap3A_70] : memref<1x1xf32, #tpu.memory_space<smem>>
    memref.store %add3A_68, %arg4[%swap3A_69, %swap3A_70] : memref<1x1xf32, #tpu.memory_space<smem>>
    %eq3A_72 = arith.constant 1 : i32
    %eq3A_73 = arith.cmpi eq, %arg0, %eq3A_72 : i32
    %convert_element_type3A_74 = arith.extui %eq3A_73 : i1 to i32
    %cond3A_75 = arith.constant 0 : i32
    %cond3A_76 = arith.cmpi ne, %convert_element_type3A_74, %cond3A_75 : i32
    scf.if %cond3A_76 {
      %get3A_77 = arith.constant 0 : index
      %get3A_78 = arith.constant 0 : index
      %get3A_79 = memref.load %arg4[%get3A_77, %get3A_78] : memref<1x1xf32, #tpu.memory_space<smem>>
      %mul3A_80 = arith.constant 1.1920929E-6 : f32
      %mul3A_81 = arith.mulf %get3A_79, %mul3A_80 : f32
      %swap3A_82 = arith.constant 0 : index
      %swap3A_83 = arith.constant 0 : index
      %swap3A_84 = memref.load %arg4[%swap3A_82, %swap3A_83] : memref<1x1xf32, #tpu.memory_space<smem>>
      memref.store %mul3A_81, %arg4[%swap3A_82, %swap3A_83] : memref<1x1xf32, #tpu.memory_space<smem>>
    } else {
    }
    return
  }
  func.func @transform_0(%arg0: i32) -> (i32, i32) {
    %add3A = arith.constant 0 : i32
    %add3A_0 = arith.addi %arg0, %add3A : i32
    %c0_i32 = arith.constant 0 : i32
    %c0_i32_1 = arith.constant 0 : i32
    return %add3A_0, %c0_i32 : i32, i32
  }
  func.func @transform_1(%arg0: i32) -> (i32, i32) {
    %c0_i32 = arith.constant 0 : i32
    %c0_i32_0 = arith.constant 0 : i32
    %c0_i32_1 = arith.constant 0 : i32
    return %c0_i32, %c0_i32_0 : i32, i32
  }
  func.func @transform_2(%arg0: i32) -> i32 {
    %c0_i32 = arith.constant 0 : i32
    return %arg0 : i32
  }
  func.func @transform_3(%arg0: i32) -> (i32, i32) {
    %c0_i32 = arith.constant 0 : i32
    %c0_i32_0 = arith.constant 0 : i32
    %c0_i32_1 = arith.constant 0 : i32
    return %c0_i32, %c0_i32_0 : i32, i32
  }
}

</mosaic_0001>

<sc_bundles>
// kernel: kernel.4.cloned.1.call-start
scs
__scs_entry_jumppad:
0x0: {  	(pc) =	sbr.rel $0x88, $3  }
0x1: {  	(tag) =	ssettag $0x0;
	lr =	simm.s32 $0x1  }
0x2: {  	[smem:$0x3F9F] =	sst lr;
	_ =	strace $0xD0000000  }
0x3: {  	_ = 	snop  }
0x4: {  	_ = 	snop  }
0x5: {  	_ = 	snop  }
0x6: {  	_ = 	snop  }
0x7: {  	_ = 	snop  }
__scs_overlays_trampoline_lowered:
0x8: {  	[smem:$0x3FAE] =	sst s0  }
0x9: {  	[smem:$0x3FAF] =	sst s1  }
0xa: {  	[smem:$0x3FB0] =	sst s2  }
0xb: {  	[smem:$0x3FB1] =	sst s3  }
0xc: {  	[smem:$0x3FB2] =	sst s4  }
0xd: {  	[smem:$0x3FB3] =	sst s5  }
0xe: {  	[smem:$0x3FB4] =	sst s6  }
0xf: {  	[smem:$0x3FB5] =	sst s7  }
0x10: {  	[smem:$0x3FB6] =	sst s8  }
0x11: {  	[smem:$0x3FB7] =	sst s9;
	s0 =	simm.s32 @!p0 $0x0  }
0x12: {  	s1 =	sld [smem:$0x3F9D];
	s0 =	simm.s32 @p0 $0x1  }
0x13: {  	[smem:$0x3FB8] =	sst s0;
	s0 =	simm.s32 @!p1 $0x0  }
0x14: {  	s2 =	sld [smem:$0x3F9C];
	s0 =	simm.s32 @p1 $0x1  }
0x15: {  	[smem:$0x3FB9] =	sst s0;
	s0 =	simm.s32 @!p2 $0x0  }
0x16: {  	s3 =	sld [smem:$0x3FDB];
	s0 =	simm.s32 @p2 $0x1  }
0x17: {  	s4 =	simm.s32 $0x1BF5;
	[smem:$0x3FBB] =	sst s0  }
0x18: {  	s0 =	sld [smem:$0x3F9E];
	_ =	swait.ge [sflag:s4], $0x0  }
0x19: {  	s7 =	sld [smem:$0x3F9F]  }
0x1a: {  	s8 =	sadd.s32 $0xFFFFE003, lr  }
0x1b: {  	s9 =	sadd.s32 $0xFFFFFEF7, lr;
	s5 =	simm.s32 $0xFFFFFFFF;
	p2 =	slt.u32 s8, $0xFFFFF086  }
0x1c: {  	p1 =	slt.u32 s9, $0xF7A;
	s5 =	simm.s32 @!p2 $0x0  }
0x1d: {  	s5 =	simm.s32 @p1 $0x1;
	p0 =	seq.s32 s7, s2  }
0x1e: {  	s7 =	smul.u32 @!p0 $0xF7A, s2;
	p2 =	seq.s32 @!p0 s5, $0x0  }
0x1f: {  	s9 =	smul.u32 $0xF7A, s1;
	s8 =	simm.s32 @!p0 $0x1BF5;
	p2 =	por !p2, p0  }
0x20: {  	[sflag:s8] =	ssyncset.s32 @!p0 $0xFFFFF086;
	s6 =	sadd.s32 @!p0 s3, s7;
	s7 =	simm.s32 @!p0 $0x108  }
0x21: {  	s3 =	sadd.s32 s3, s9;
	s6 =	sadd.s32 @!p0 $0x88, s6;
	s7 =	simm.s32 @p2 $0x1082  }
0x22: {  	[simem:s7], [sflag:s8] =	dma.local @!p0 [hbm:s6], $0xF7A  }
0x23: {  	s9 =	sor.u32 $0xD0000000, s2;
	s6 =	simm.s32 $0x108;
	_ =	swait.ge @!p0 [sflag:s8], $0x0  }
0x24: {  	s3 =	sadd.s32 $0x88, s3;
	s6 =	simm.s32 @!p1 $0x1082;
	[sflag:s4] =	ssyncset.s32 $0xFFFFF086  }
0x25: {  	[simem:s6], [sflag:s4] =	dma.local [hbm:s3], $0xF7A  }
0x26: {  	[smem:$0x3F9F] =	sst s1;
	(tag) =	ssettag s2;
	_ =	strace s9  }
0x27: {  	s1 =	sld [smem:$0x3FAF]  }
0x28: {  	s2 =	sld [smem:$0x3FB0]  }
0x29: {  	s4 =	sld [smem:$0x3FB2]  }
0x2a: {  	p0 =	seq.s32 s5, $0x0;
	s5 =	sld [smem:$0x3FB3]  }
0x2b: {  	s6 =	sld [smem:$0x3FB4]  }
0x2c: {  	s7 =	sld [smem:$0x3FB5]  }
0x2d: {  	s3 =	simm.s32 $0x108;
	s8 =	sld [smem:$0x3FB6]  }
0x2e: {  	s3 =	simm.s32 @!p0 $0x1082;
	s9 =	sld [smem:$0x3FB7]  }
0x2f: {  	lr =	sadd.s32 s0, s3;
	s0 =	sld [smem:$0x3FAE]  }
0x30: {  	s3 =	sld [smem:$0x3FB1]  }
0x31: {  	[smem:$0x3FBA] =	sst s10  }
0x32: {  	s10 =	sld [smem:$0x3FB8];
	_ =	sdelay $0x3  }
0x33: {  	p0 =	seq.s32 s10, $0x1;
	s10 =	sld [smem:$0x3FBA];
	_ =	sdelay $0x3  }
0x34: {  	[smem:$0x3FBA] =	sst s10  }
0x35: {  	s10 =	sld [smem:$0x3FB9];
	_ =	sdelay $0x3  }
0x36: {  	p1 =	seq.s32 s10, $0x1;
	s10 =	sld [smem:$0x3FBA];
	_ =	sdelay $0x3  }
0x37: {  	[smem:$0x3FBA] =	sst s10  }
0x38: {  	s10 =	sld [smem:$0x3FBB]  }
0x39: {  	_ = 	snop;
	(pc) =	sbr.ind lr, $3  }
0x3a: {  	_ = 	snop  }
0x3b: {  	_ = 	snop  }
0x3c: {  	p2 =	seq.s32 s10, $0x1;
	s10 =	sld [smem:$0x3FBA]  }
0x3d: {  	_ =	shalt  }
0x3e: {  	_ =	shalt  }
0x3f: {  	_ =	shalt  }
0x40: {  	_ =	shalt  }
0x41: {  	_ =	shalt  }
0x42: {  	_ =	shalt  }
0x43: {  	_ =	shalt  }
0x44: {  	_ =	shalt  }
0x45: {  	_ =	shalt  }
0x46: {  	_ =	shalt  }
0x47: {  	_ =	shalt  }
0x48: {  	_ =	shalt  }
0x49: {  	_ =	shalt  }
0x4a: {  	_ =	shalt  }
0x4b: {  	_ =	shalt  }
0x4c: {  	_ =	shalt  }
0x4d: {  	_ =	shalt  }
0x4e: {  	_ =	shalt  }
0x4f: {  	_ =	shalt  }
0x50: {  	_ =	shalt  }
0x51: {  	_ =	shalt  }
0x52: {  	_ =	shalt  }
0x53: {  	_ =	shalt  }
0x54: {  	_ =	shalt  }
0x55: {  	_ =	shalt  }
0x56: {  	_ =	shalt  }
0x57: {  	_ =	shalt  }
0x58: {  	_ =	shalt  }
0x59: {  	_ =	shalt  }
0x5a: {  	_ =	shalt  }
0x5b: {  	_ =	shalt  }
0x5c: {  	_ =	shalt  }
0x5d: {  	_ =	shalt  }
0x5e: {  	_ =	shalt  }
0x5f: {  	_ =	shalt  }
0x60: {  	_ =	shalt  }
0x61: {  	_ =	shalt  }
0x62: {  	_ =	shalt  }
0x63: {  	_ =	shalt  }
0x64: {  	_ =	shalt  }
0x65: {  	_ =	shalt  }
0x66: {  	_ =	shalt  }
0x67: {  	_ =	shalt  }
0x68: {  	_ =	shalt  }
0x69: {  	_ =	shalt  }
0x6a: {  	_ =	shalt  }
0x6b: {  	_ =	shalt  }
0x6c: {  	_ =	shalt  }
0x6d: {  	_ =	shalt  }
0x6e: {  	_ =	shalt  }
0x6f: {  	_ =	shalt  }
0x70: {  	_ =	shalt  }
0x71: {  	_ =	shalt  }
0x72: {  	_ =	shalt  }
0x73: {  	_ =	shalt  }
0x74: {  	_ =	shalt  }
0x75: {  	_ =	shalt  }
0x76: {  	_ =	shalt  }
0x77: {  	_ =	shalt  }
0x78: {  	_ =	shalt  }
0x79: {  	_ =	shalt  }
0x7a: {  	_ =	shalt  }
0x7b: {  	_ =	shalt  }
0x7c: {  	_ =	shalt  }
0x7d: {  	_ =	shalt  }
0x7e: {  	_ =	shalt  }
0x7f: {  	_ =	shalt  }
0x80: {  	_ =	shalt  }
0x81: {  	_ =	shalt  }
0x82: {  	_ =	shalt  }
0x83: {  	_ =	shalt  }
0x84: {  	_ =	shalt  }
0x85: {  	_ =	shalt  }
0x86: {  	_ =	shalt  }
0x87: {  	_ =	shalt  }
.Lfunc_end0:
.L_simem_size_0:
called_computation_lowered:
.L_overlay_start_0:
0x88: {  	s2 =	sld [smem:$0x3FD9]  }
0x89: {  	s3 =	sld [smem:$0x3FFE];
	_ =	sdelay $0x1  }
0x8a: {  	s1 =	srdreg.scid  }
0x8b: {  	s0 =	sand.u32 $0x1, s1  }
0x8c: {  	s14 =	sshll.u32 s0, $0xA;
	s2 =	sadd.s32 s3, s2  }
0x8d: {  	s2 =	sadd.s32 s2, s14  }
0x8e: {  	[smem:$0x3FC6] =	sst s2  }
0x8f: {  	_ = 	snop  }
0x90: {  	s2 =	sld [smem:$0x3FD0];
	_ =	sdelay $0x2  }
0x91: {  	s15 =	simm.s32 $0xA;
	s4 =	simm.s32 $0x10  }
0x92: {  	[smem:s4], [sflag:s15] =	dma.local [hbm:s2], $0x1  }
0x93: {  	_ =	swait.eq [sflag:s15], $0x1  }
0x94: {  	[sflag:s15] =	ssyncset.done $0x0  }
0x95: {  	[sflag:s15] =	ssyncadd.s32 $0xFFFFFFFF  }
0x96: {  	s16 =	sld [smem:$0x10];
	(tm) =	ssettm $0x1  }
0x97: {  	s17 =	sld [smem:$0x3FFB];
	_ =	sdelay $0x3  }
0x98: {  	_ =	strace s17  }
0x99: {  	s3 =	sld [smem:$0x3FFC];
	_ =	sdelay $0x3  }
0x9a: {  	_ =	strace s3  }
0x9b: {  	s3 =	sld [smem:$0x3FFD];
	_ =	sdelay $0x3  }
0x9c: {  	_ =	strace s3  }
0x9d: {  	_ =	strace $0x8FFFFFFF  }
0x9e: {  	s18 =	sld [smem:$0x3FDB];
	_ =	sdelay $0x1  }
0x9f: {  	s19 =	simm.s32 $_scs_section_size  }
0xa0: {  	s5 =	simm.s32 $_size__tile_overlayer_lowered;
	s6 =	simm.s32 $_tile_overlayer_lowered  }
0xa1: {  	s22 =	simm.s32 $0x1BFF;
	s21 =	sshll.u32 s6, $0x1;
	s3 =	sadd.s32 s19, s18  }
0xa2: {  	s7 =	simm.s32 $0x0;
	s20 =	sshll.u32 s5, $0x1;
	s5 =	sadd.s32 s21, s3  }
0xa3: {  	[timem:s7], [sflag:s22] =	dma.local [hbm:s5], s20  }
0xa4: {  	_ =	swait.ge [sflag:s22], s20  }
0xa5: {  	s4 =	ssub.s32 $0x0, s20;
	[sflag:s22] =	ssyncset.done $0x0  }
0xa6: {  	[sflag:s22] =	ssyncadd.s32 s4;
	_ =	sdelay $0x1  }
0xa7: {  	s23 =	simm.s32 $0x1B8B  }
0xa8: {  	_ =	swait.ge [sflag:s23], $0x1  }
0xa9: {  	[sflag:s23] =	ssyncset.done $0x0  }
0xaa: {  	s25 =	simm.s32 $0x1B8E;
	s24 =	sld [smem:$0x3FFE];
	[sflag:s23] =	ssyncadd.s32 $0xFFFFFFFF  }
0xab: {  	s26 =	simm.s32 $execute0_lowered;
	[smem:$0x3FD2] =	sst s25  }
0xac: {  	s5 =	sshll.u32 s26, $0x1;
	_ =	strace $0x80000046;
	[dreg:$0x1] =	wrdreg $0xFFFFFFFF  }
0xad: {  	s28 =	simm.s32 $_size_execute0_lowered;
	s3 =	sadd.s32 s3, s5;
	[dreg:$0x0] =	wrdreg $0x0  }
0xae: {  	s5 =	sshll.u32 s28, $0x1;
	[dreg:$0x2] =	wrdreg s3  }
0xaf: {  	[dreg:$0x3] =	wrdreg s5  }
0xb0: {  	[dreg:$0x4] =	wrdreg $0xC0  }
0xb1: {  	_ =	task [dreg:s7], $0x5FFFF  }
0xb2: {  	[dreg:$0x1] =	wrdreg $0xFFFFFFFF  }
0xb3: {  	[dreg:$0x0] =	wrdreg $0x60  }
0xb4: {  	[dreg:$0x2] =	wrdreg s16  }
0xb5: {  	[dreg:$0x3] =	wrdreg s24  }
0xb6: {  	[dreg:$0x4] =	wrdreg $0x9  }
0xb7: {  	_ =	task.clear_ibuf [dreg:s7], $0x5FFFF;
	_ =	strace $0x90000046  }
0xb8: {  	s29 =	simm.s32 $0x9;
	_ =	strace $0x80000048  }
0xb9: {  	_ =	swait.ge [sflag:s29], $0x1  }
0xba: {  	[sflag:s29] =	ssyncadd.s32 $0xFFFFFFFF  }
0xbb: {  	_ =	strace $0x90000048  }
0xbc: {  	_ =	sfence  }
0xbd: {  	s30 =	sld [smem:$0x0];
	_ =	sdelay $0x2  }
0xbe: {  	s31 =	sshll.u32 s1, $0xD;
	s1 =	sshrl.u32 s1, $0x2  }
0xbf: {  	s3 =	sand.u32 $0x4000, s31;
	s1 =	sadd.s32 s1, s30  }
0xc0: {  	s0 =	sor.u32 s3, s0;
	s1 =	sshll.u32 s1, $0x11  }
0xc1: {  	s0 =	sor.u32 s1, s0  }
0xc2: {  	s0 =	sadd.s32 $0x8F2B, s0  }
0xc3: {  	[sflag:s0] =	ssyncadd.remote.s32 $0x1  }
0xc4: {  	_ =	sfence.sel $0xFFFF  }
0xc5: {  	[dreg:$0x0] =	wrdreg $0xFFFFFFFF;
	(pc) =	sbr.abs _section_cstart, $3  }
0xc6: {  	[dreg:$0x1] =	wrdreg $0xFFFFFFFF  }
0xc7: {  	_ =	task.clear_ibuf [dreg:s7], $0x2FFFF;
	_ =	strace $0x9FFFFFFF  }
0xc8: {  	(tm) =	ssettm $0x7FFFFFFF  }
0xc9: {  	_ =	shalt  }
tec
execute0_lowered:
.L_overlay_start_1:
0x0: {  	(tag) =	ssettag $0x1  }
0x1: {  	s0 =	srdreg.scid  }
0x2: {  	s4 =	stileid.u32;
	s17 =	rddreg [dreg:$0x0]  }
0x3: {  	s3 =	simm.s32 $0x1;
	s18 =	rddreg [dreg:$0x1];
	s31 =	simm.s32 $0x2  }
0x4: {  	s30 =	simm.s32 $0x200;
	s28 =	simm.s32 $0x6A00;
	s29 =	simm.s32 $0x7200  }
0x5: {  	s15 =	simm.s32 $0x7A00;
	s0 =	sand.u32 $0x1, s0;
	s1 =	sshll.u32 s4, $0xA  }
0x6: {  	[dreg:$0x3] =	wrdreg s17;
	s17 =	simm.s32 $0x3200;
	s2 =	sshll.u32 s0, $0x9  }
0x7: {  	p1 =	seq.s32 s0, $0x1;
	s19 =	sshll.u32 s0, $0xF;
	s1 =	sor.u32 s2, s1  }
0x8: {  	s0 =	ssub.s32 $0x2, s0;
	s2 =	simm.s32 $0x1;
	p0 =	seq.s32 s1, $0x0  }
0x9: {  	s24 =	sshrl.u32 s0, $0x1;
	s1 =	sshrl.u32 s1, $0x3;
	p0 =	por !p0, !p1  }
0xa: {  	s0 =	ssub.s32 s0, s24;
	s24 =	simm.s32 $0x5200;
	p0 =	por !p0, !p0  }
0xb: {  	s1 =	sadd.s32 s1, s18;
	s0 =	smax.u32 s0, $0x1;
	s3 =	simm.s32 @!p0 $0x0  }
0xc: {  	s1 =	sadd.s32 $0xC00, s1;
	p1 =	sne.s32 s0, $0x1;
	s3 =	ssub.s32 s4, s3  }
0xd: {  	s16 =	sadd.s32 $0xFFFFFFFF, s0;
	s5 =	sshll.u32 s3, $0x10;
	s3 =	simm.s32 $0x0  }
0xe: {  	p0 =	por $0x0, $0x0;
	s4 =	sor.u32 s19, s5;
	[smem:$0x7FF] =	sst s3  }
0xf: {  	s19 =	simm.s32 $0x4200;
	s4 =	sshrl.u32 s4, $0x3;
	_ =	strace $0x80000047  }
0x10: {  	[dreg:$0x4] =	wrdreg s1;
	s13 =	sadd.s32 s4, s18;
	s18 =	simm.s32 $0x3A00  }
0x11: {  	s0 =	rddreg [dreg:$0x4];
	s20 =	sadd.s32 $0x1400, s13;
	s21 =	sadd.s32 $0x1500, s13  }
0x12: {  	s22 =	sadd.s32 $0x1600, s13;
	s23 =	sadd.s32 $0x1700, s13;
	s25 =	sadd.s32 $0x1800, s13  }
0x13: {  	s26 =	sadd.s32 $0x1900, s13;
	s4 =	sadd.s32 $0x1A00, s13;
	[dreg:$0x5] =	wrdreg s20  }
0x14: {  	s5 =	sadd.s32 $0x1B00, s13;
	s6 =	sadd.s32 $0x1C00, s13;
	[dreg:$0x6] =	wrdreg s21  }
0x15: {  	s7 =	sadd.s32 $0x1D00, s13;
	s8 =	sadd.s32 $0x1E00, s13;
	[dreg:$0x7] =	wrdreg s22  }
.Ltmp0:
0x16: {  	s9 =	sadd.s32 $0x1F00, s13;
	[dreg:$0x8] =	wrdreg s23;
	(pc) =	sbr.rel @!p1 .LBB2_1-.Ltmp0, $4  }
0x17: {  	s10 =	sadd.s32 $0x2000, s13;
	s11 =	sadd.s32 $0x2100, s13;
	[dreg:$0x9] =	wrdreg s25  }
0x18: {  	s12 =	sadd.s32 $0x2200, s13;
	s13 =	sadd.s32 $0x2300, s13;
	[dreg:$0xa] =	wrdreg s26  }
0x19: {  	s23 =	simm.s32 $0xA00;
	s22 =	simm.s32 $0x1200;
	s21 =	simm.s32 $0x1A00  }
0x1a: {  	s20 =	simm.s32 $0x4A00;
	s25 =	simm.s32 $0x5A00;
	s26 =	simm.s32 $0x6200  }
0x1b: {  	[tilespmem:s3], [sflag:$0x2] =	stream.linear.gather [hbm4b:s0+s3], $0x200, $0x38;
	[tilespmem:$0x8200] =	vst v63  }
0x1c: {  	_ =	swait.ge [sflag:s31], $0x200  }
0x1d: {  	[sflag:s31] =	ssyncset.done $0x0  }
0x1e: {  	s1 =	rddreg [dreg:$0x3];
	[sflag:s31] =	ssyncadd.s32 $0xFFFFFE00  }
0x1f: {  	[tilespmem:s30], [sflag:$0x1] =	stream.indirect.gather [hbm4b:s1+s30], $0x40, s3, s30, $0xb8;
	[tilespmem:$0x8200] =	vst v63  }
0x20: {  	_ =	swait.ge [sflag:s2], $0x8000  }
0x21: {  	[sflag:s2] =	ssyncset.done $0x0  }
0x22: {  	s14 =	rddreg [dreg:$0x5];
	[sflag:s2] =	ssyncadd.s32 $0xFFFF8000  }
0x23: {  	[hbm4b:s14+s3] =	stream.linear.scatter [tilespmem:s30], [sflag:$0x1], $0x800, $0x38;
	[tilespmem:$0x8200] =	vst v63  }
0x24: {  	s1 =	rddreg [dreg:$0x6]  }
0x25: {  	[hbm4b:s1+s3] =	stream.linear.scatter [tilespmem:s23], [sflag:$0x1], $0x800, $0x38;
	[tilespmem:$0x8200] =	vst v63  }
0x26: {  	s0 =	rddreg [dreg:$0x7]  }
0x27: {  	[hbm4b:s0+s3] =	stream.linear.scatter [tilespmem:s22], [sflag:$0x1], $0x800, $0x38;
	[tilespmem:$0x8200] =	vst v63  }
0x28: {  	s14 =	rddreg [dreg:$0x8]  }
0x29: {  	[hbm4b:s14+s3] =	stream.linear.scatter [tilespmem:s21], [sflag:$0x1], $0x800, $0x38;
	[tilespmem:$0x8200] =	vst v63  }
0x2a: {  	s0 =	rddreg [dreg:$0x9];
	s14 =	simm.s32 $0x2200  }
0x2b: {  	[hbm4b:s0+s3] =	stream.linear.scatter [tilespmem:s14], [sflag:$0x1], $0x800, $0x38;
	[tilespmem:$0x8200] =	vst v63  }
0x2c: {  	s1 =	rddreg [dreg:$0xa];
	s14 =	simm.s32 $0x2A00  }
0x2d: {  	[hbm4b:s1+s3] =	stream.linear.scatter [tilespmem:s14], [sflag:$0x1], $0x800, $0x38;
	[tilespmem:$0x8200] =	vst v63  }
0x2e: {  	_ = 	snop  }
0x2f: {  	[hbm4b:s4+s3] =	stream.linear.scatter [tilespmem:s17], [sflag:$0x1], $0x800, $0x38;
	[tilespmem:$0x8200] =	vst v63  }
0x30: {  	_ = 	snop  }
0x31: {  	[hbm4b:s5+s3] =	stream.linear.scatter [tilespmem:s18], [sflag:$0x1], $0x800, $0x38;
	[tilespmem:$0x8200] =	vst v63  }
0x32: {  	_ = 	snop  }
0x33: {  	[hbm4b:s6+s3] =	stream.linear.scatter [tilespmem:s19], [sflag:$0x1], $0x800, $0x38;
	[tilespmem:$0x8200] =	vst v63  }
0x34: {  	_ = 	snop  }
0x35: {  	[hbm4b:s7+s3] =	stream.linear.scatter [tilespmem:s20], [sflag:$0x1], $0x800, $0x38;
	[tilespmem:$0x8200] =	vst v63  }
0x36: {  	_ = 	snop  }
0x37: {  	[hbm4b:s8+s3] =	stream.linear.scatter [tilespmem:s24], [sflag:$0x1], $0x800, $0x38;
	[tilespmem:$0x8200] =	vst v63  }
0x38: {  	_ = 	snop  }
0x39: {  	[hbm4b:s9+s3] =	stream.linear.scatter [tilespmem:s25], [sflag:$0x1], $0x800, $0x38;
	[tilespmem:$0x8200] =	vst v63  }
0x3a: {  	_ = 	snop  }
0x3b: {  	[hbm4b:s10+s3] =	stream.linear.scatter [tilespmem:s26], [sflag:$0x1], $0x800, $0x38;
	[tilespmem:$0x8200] =	vst v63  }
0x3c: {  	_ = 	snop  }
0x3d: {  	[hbm4b:s11+s3] =	stream.linear.scatter [tilespmem:s28], [sflag:$0x1], $0x800, $0x38;
	[tilespmem:$0x8200] =	vst v63  }
0x3e: {  	_ = 	snop  }
0x3f: {  	[hbm4b:s12+s3] =	stream.linear.scatter [tilespmem:s29], [sflag:$0x1], $0x800, $0x38;
	[tilespmem:$0x8200] =	vst v63  }
0x40: {  	_ = 	snop  }
0x41: {  	[hbm4b:s13+s3] =	stream.linear.scatter [tilespmem:s15], [sflag:$0x1], $0x800, $0x38;
	[tilespmem:$0x8200] =	vst v63  }
0x42: {  	_ =	swait.ge [sflag:s2], $0x800  }
0x43: {  	[sflag:s2] =	ssyncset.done $0x0  }
0x44: {  	[sflag:s2] =	ssyncadd.s32 $0xFFFFF800  }
0x45: {  	_ =	swait.ge [sflag:s2], $0x800  }
0x46: {  	[sflag:s2] =	ssyncset.done $0x0  }
0x47: {  	[sflag:s2] =	ssyncadd.s32 $0xFFFFF800  }
0x48: {  	_ =	swait.ge [sflag:s2], $0x800  }
0x49: {  	[sflag:s2] =	ssyncset.done $0x0  }
0x4a: {  	[sflag:s2] =	ssyncadd.s32 $0xFFFFF800  }
0x4b: {  	_ =	swait.ge [sflag:s2], $0x800  }
0x4c: {  	[sflag:s2] =	ssyncset.done $0x0  }
0x4d: {  	[sflag:s2] =	ssyncadd.s32 $0xFFFFF800  }
0x4e: {  	_ =	swait.ge [sflag:s2], $0x800  }
0x4f: {  	[sflag:s2] =	ssyncset.done $0x0  }
0x50: {  	[sflag:s2] =	ssyncadd.s32 $0xFFFFF800  }
0x51: {  	_ =	swait.ge [sflag:s2], $0x800  }
0x52: {  	[sflag:s2] =	ssyncset.done $0x0  }
0x53: {  	[sflag:s2] =	ssyncadd.s32 $0xFFFFF800  }
0x54: {  	_ =	swait.ge [sflag:s2], $0x800  }
0x55: {  	[sflag:s2] =	ssyncset.done $0x0  }
0x56: {  	[sflag:s2] =	ssyncadd.s32 $0xFFFFF800  }
0x57: {  	_ =	swait.ge [sflag:s2], $0x800  }
0x58: {  	[sflag:s2] =	ssyncset.done $0x0  }
0x59: {  	[sflag:s2] =	ssyncadd.s32 $0xFFFFF800  }
0x5a: {  	_ =	swait.ge [sflag:s2], $0x800  }
0x5b: {  	[sflag:s2] =	ssyncset.done $0x0  }
0x5c: {  	[sflag:s2] =	ssyncadd.s32 $0xFFFFF800  }
0x5d: {  	_ =	swait.ge [sflag:s2], $0x800  }
0x5e: {  	[sflag:s2] =	ssyncset.done $0x0  }
0x5f: {  	[sflag:s2] =	ssyncadd.s32 $0xFFFFF800  }
0x60: {  	_ =	swait.ge [sflag:s2], $0x800  }
0x61: {  	[sflag:s2] =	ssyncset.done $0x0  }
0x62: {  	[sflag:s2] =	ssyncadd.s32 $0xFFFFF800  }
0x63: {  	_ =	swait.ge [sflag:s2], $0x800  }
0x64: {  	[sflag:s2] =	ssyncset.done $0x0  }
0x65: {  	[sflag:s2] =	ssyncadd.s32 $0xFFFFF800  }
0x66: {  	_ =	swait.ge [sflag:s2], $0x800  }
0x67: {  	[sflag:s2] =	ssyncset.done $0x0  }
0x68: {  	[sflag:s2] =	ssyncadd.s32 $0xFFFFF800  }
0x69: {  	_ =	swait.ge [sflag:s2], $0x800  }
0x6a: {  	[sflag:s2] =	ssyncset.done $0x0  }
0x6b: {  	p1 =	sne.s32 s16, $0x1;
	[sflag:s2] =	ssyncadd.s32 $0xFFFFF800  }
.Ltmp1:
0x6c: {  	_ =	swait.ge [sflag:s2], $0x800;
	(pc) =	sbr.rel @!p1 .LBB2_7-.Ltmp1, $4  }
0x6d: {  	[sflag:s2] =	ssyncset.done $0x0  }
0x6e: {  	[sflag:s2] =	ssyncadd.s32 $0xFFFFF800  }
0x6f: {  	p0 =	por $0x1, $0x1;
	_ =	swait.ge [sflag:s2], $0x800  }
0x70: {  	s1 =	sadd.s32 $0xFFFFFFFF, s16;
	s0 =	rddreg [dreg:$0x4];
	[sflag:s2] =	ssyncset.done $0x0  }
0x71: {  	s16 =	simm.s32 $0x2200  }
.LBB2_4:
0x72: {  	[sflag:s2] =	ssyncadd.s32 $0xFFFFF800  }
0x73: {  	[tilespmem:s3], [sflag:$0x2] =	stream.linear.gather [hbm4b:s0+s3], $0x200, $0x38;
	[tilespmem:$0x8200] =	vst v63  }
0x74: {  	_ =	swait.ge [sflag:s31], $0x200  }
0x75: {  	[sflag:s31] =	ssyncset.done $0x0  }
0x76: {  	s14 =	rddreg [dreg:$0x3];
	[sflag:s31] =	ssyncadd.s32 $0xFFFFFE00  }
0x77: {  	[tilespmem:s30], [sflag:$0x1] =	stream.indirect.gather [hbm4b:s14+s30], $0x40, s3, s30, $0xb8;
	[tilespmem:$0x8200] =	vst v63  }
0x78: {  	_ =	swait.ge [sflag:s2], $0x8000  }
0x79: {  	[sflag:s2] =	ssyncset.done $0x0  }
0x7a: {  	s0 =	rddreg [dreg:$0x5];
	[sflag:s2] =	ssyncadd.s32 $0xFFFF8000  }
0x7b: {  	[hbm4b:s0+s3] =	stream.linear.scatter [tilespmem:s30], [sflag:$0x1], $0x800, $0x38;
	[tilespmem:$0x8200] =	vst v63  }
0x7c: {  	s14 =	rddreg [dreg:$0x6]  }
0x7d: {  	[hbm4b:s14+s3] =	stream.linear.scatter [tilespmem:s23], [sflag:$0x1], $0x800, $0x38;
	[tilespmem:$0x8200] =	vst v63  }
0x7e: {  	s0 =	rddreg [dreg:$0x7]  }
0x7f: {  	[hbm4b:s0+s3] =	stream.linear.scatter [tilespmem:s22], [sflag:$0x1], $0x800, $0x38;
	[tilespmem:$0x8200] =	vst v63  }
0x80: {  	s14 =	rddreg [dreg:$0x8]  }
0x81: {  	[hbm4b:s14+s3] =	stream.linear.scatter [tilespmem:s21], [sflag:$0x1], $0x800, $0x38;
	[tilespmem:$0x8200] =	vst v63  }
0x82: {  	s0 =	rddreg [dreg:$0x9]  }
0x83: {  	[hbm4b:s0+s3] =	stream.linear.scatter [tilespmem:s16], [sflag:$0x1], $0x800, $0x38;
	[tilespmem:$0x8200] =	vst v63  }
0x84: {  	s14 =	rddreg [dreg:$0xa];
	s0 =	simm.s32 $0x2A00  }
0x85: {  	[hbm4b:s14+s3] =	stream.linear.scatter [tilespmem:s0], [sflag:$0x1], $0x800, $0x38;
	[tilespmem:$0x8200] =	vst v63  }
0x86: {  	_ = 	snop  }
0x87: {  	[hbm4b:s4+s3] =	stream.linear.scatter [tilespmem:s17], [sflag:$0x1], $0x800, $0x38;
	[tilespmem:$0x8200] =	vst v63  }
0x88: {  	_ = 	snop  }
0x89: {  	[hbm4b:s5+s3] =	stream.linear.scatter [tilespmem:s18], [sflag:$0x1], $0x800, $0x38;
	[tilespmem:$0x8200] =	vst v63  }
0x8a: {  	_ = 	snop  }
0x8b: {  	[hbm4b:s6+s3] =	stream.linear.scatter [tilespmem:s19], [sflag:$0x1], $0x800, $0x38;
	[tilespmem:$0x8200] =	vst v63  }
0x8c: {  	_ = 	snop  }
0x8d: {  	[hbm4b:s7+s3] =	stream.linear.scatter [tilespmem:s20], [sflag:$0x1], $0x800, $0x38;
	[tilespmem:$0x8200] =	vst v63  }
0x8e: {  	_ = 	snop  }
0x8f: {  	[hbm4b:s8+s3] =	stream.linear.scatter [tilespmem:s24], [sflag:$0x1], $0x800, $0x38;
	[tilespmem:$0x8200] =	vst v63  }
0x90: {  	_ = 	snop  }
0x91: {  	[hbm4b:s9+s3] =	stream.linear.scatter [tilespmem:s25], [sflag:$0x1], $0x800, $0x38;
	[tilespmem:$0x8200] =	vst v63  }
0x92: {  	_ = 	snop  }
0x93: {  	[hbm4b:s10+s3] =	stream.linear.scatter [tilespmem:s26], [sflag:$0x1], $0x800, $0x38;
	[tilespmem:$0x8200] =	vst v63  }
0x94: {  	_ = 	snop  }
0x95: {  	[hbm4b:s11+s3] =	stream.linear.scatter [tilespmem:s28], [sflag:$0x1], $0x800, $0x38;
	[tilespmem:$0x8200] =	vst v63  }
0x96: {  	_ = 	snop  }
0x97: {  	[hbm4b:s12+s3] =	stream.linear.scatter [tilespmem:s29], [sflag:$0x1], $0x800, $0x38;
	[tilespmem:$0x8200] =	vst v63  }
0x98: {  	_ = 	snop  }
0x99: {  	[hbm4b:s13+s3] =	stream.linear.scatter [tilespmem:s15], [sflag:$0x1], $0x800, $0x38;
	[tilespmem:$0x8200] =	vst v63  }
0x9a: {  	_ =	swait.ge [sflag:s2], $0x800  }
0x9b: {  	[sflag:s2] =	ssyncset.done $0x0  }
0x9c: {  	[sflag:s2] =	ssyncadd.s32 $0xFFFFF800  }
0x9d: {  	_ =	swait.ge [sflag:s2], $0x800  }
0x9e: {  	[sflag:s2] =	ssyncset.done $0x0  }
0x9f: {  	[sflag:s2] =	ssyncadd.s32 $0xFFFFF800  }
0xa0: {  	_ =	swait.ge [sflag:s2], $0x800  }
0xa1: {  	[sflag:s2] =	ssyncset.done $0x0  }
0xa2: {  	[sflag:s2] =	ssyncadd.s32 $0xFFFFF800  }
0xa3: {  	_ =	swait.ge [sflag:s2], $0x800  }
0xa4: {  	[sflag:s2] =	ssyncset.done $0x0  }
0xa5: {  	[sflag:s2] =	ssyncadd.s32 $0xFFFFF800  }
0xa6: {  	_ =	swait.ge [sflag:s2], $0x800  }
0xa7: {  	[sflag:s2] =	ssyncset.done $0x0  }
0xa8: {  	[sflag:s2] =	ssyncadd.s32 $0xFFFFF800  }
0xa9: {  	_ =	swait.ge [sflag:s2], $0x800  }
0xaa: {  	[sflag:s2] =	ssyncset.done $0x0  }
0xab: {  	[sflag:s2] =	ssyncadd.s32 $0xFFFFF800  }
0xac: {  	_ =	swait.ge [sflag:s2], $0x800  }
0xad: {  	[sflag:s2] =	ssyncset.done $0x0  }
0xae: {  	[sflag:s2] =	ssyncadd.s32 $0xFFFFF800  }
0xaf: {  	_ =	swait.ge [sflag:s2], $0x800  }
0xb0: {  	[sflag:s2] =	ssyncset.done $0x0  }
0xb1: {  	[sflag:s2] =	ssyncadd.s32 $0xFFFFF800  }
0xb2: {  	_ =	swait.ge [sflag:s2], $0x800  }
0xb3: {  	[sflag:s2] =	ssyncset.done $0x0  }
0xb4: {  	[sflag:s2] =	ssyncadd.s32 $0xFFFFF800  }
0xb5: {  	_ =	swait.ge [sflag:s2], $0x800  }
0xb6: {  	[sflag:s2] =	ssyncset.done $0x0  }
0xb7: {  	[sflag:s2] =	ssyncadd.s32 $0xFFFFF800  }
0xb8: {  	_ =	swait.ge [sflag:s2], $0x800  }
0xb9: {  	[sflag:s2] =	ssyncset.done $0x0  }
0xba: {  	[sflag:s2] =	ssyncadd.s32 $0xFFFFF800  }
0xbb: {  	_ =	swait.ge [sflag:s2], $0x800  }
0xbc: {  	[sflag:s2] =	ssyncset.done $0x0  }
0xbd: {  	[sflag:s2] =	ssyncadd.s32 $0xFFFFF800  }
0xbe: {  	_ =	swait.ge [sflag:s2], $0x800  }
0xbf: {  	[sflag:s2] =	ssyncset.done $0x0  }
0xc0: {  	[sflag:s2] =	ssyncadd.s32 $0xFFFFF800  }
0xc1: {  	_ =	swait.ge [sflag:s2], $0x800  }
0xc2: {  	[sflag:s2] =	ssyncset.done $0x0  }
0xc3: {  	p1 =	sne.s32 s1, $0x1;
	[sflag:s2] =	ssyncadd.s32 $0xFFFFF800  }
.Ltmp2:
0xc4: {  	_ =	swait.ge [sflag:s2], $0x800;
	(pc) =	sbr.rel @p1 .LBB2_4-.Ltmp2, $4  }
0xc5: {  	[sflag:s2] =	ssyncset.done $0x0  }
0xc6: {  	[sflag:s2] =	ssyncadd.s32 $0xFFFFF800  }
0xc7: {  	_ =	swait.ge [sflag:s2], $0x800  }
0xc8: {  	s1 =	sadd.s32 $0xFFFFFFFF, s1;
	s0 =	rddreg [dreg:$0x4];
	[sflag:s2] =	ssyncset.done $0x0  }
0xc9: {  	s14 =	simm.s32 $0x7A00;
	s29 =	simm.s32 $0x7200;
	s28 =	simm.s32 $0x6A00  }
0xca: {  	s26 =	simm.s32 $0x6200;
	s25 =	simm.s32 $0x5A00;
	s24 =	simm.s32 $0x5200  }
0xcb: {  	s23 =	simm.s32 $0xA00;
	s22 =	simm.s32 $0x1200;
	s21 =	simm.s32 $0x1A00  }
0xcc: {  	s20 =	simm.s32 $0x4A00;
	s19 =	simm.s32 $0x4200;
	s18 =	simm.s32 $0x3A00  }
0xcd: {  	s17 =	simm.s32 $0x3200;
	s16 =	simm.s32 $0x2A00;
	s15 =	simm.s32 $0x2200  }
.LBB2_6:
0xce: {  	[sflag:s2] =	ssyncadd.s32 @p0 $0xFFFFF800  }
0xcf: {  	[tilespmem:s3], [sflag:$0x2] =	stream.linear.gather [hbm4b:s0+s3], $0x200, $0x38;
	[tilespmem:$0x8200] =	vst v63  }
0xd0: {  	_ =	swait.ge [sflag:s31], $0x200  }
0xd1: {  	[sflag:s31] =	ssyncset.done $0x0  }
0xd2: {  	s1 =	rddreg [dreg:$0x3];
	[sflag:s31] =	ssyncadd.s32 $0xFFFFFE00  }
0xd3: {  	[tilespmem:s30], [sflag:$0x1] =	stream.indirect.gather [hbm4b:s1+s30], $0x40, s3, s30, $0xb8;
	[tilespmem:$0x8200] =	vst v63  }
0xd4: {  	_ =	swait.ge [sflag:s2], $0x8000  }
0xd5: {  	[sflag:s2] =	ssyncset.done $0x0  }
0xd6: {  	s31 =	rddreg [dreg:$0x5];
	[sflag:s2] =	ssyncadd.s32 $0xFFFF8000  }
0xd7: {  	[hbm4b:s31+s3] =	stream.linear.scatter [tilespmem:s30], [sflag:$0x1], $0x800, $0x38;
	[tilespmem:$0x8200] =	vst v63  }
0xd8: {  	s1 =	rddreg [dreg:$0x6]  }
0xd9: {  	[hbm4b:s1+s3] =	stream.linear.scatter [tilespmem:s23], [sflag:$0x1], $0x800, $0x38;
	[tilespmem:$0x8200] =	vst v63  }
0xda: {  	s30 =	rddreg [dreg:$0x7]  }
0xdb: {  	[hbm4b:s30+s3] =	stream.linear.scatter [tilespmem:s22], [sflag:$0x1], $0x800, $0x38;
	[tilespmem:$0x8200] =	vst v63  }
0xdc: {  	s31 =	rddreg [dreg:$0x8]  }
0xdd: {  	[hbm4b:s31+s3] =	stream.linear.scatter [tilespmem:s21], [sflag:$0x1], $0x800, $0x38;
	[tilespmem:$0x8200] =	vst v63  }
0xde: {  	s23 =	rddreg [dreg:$0x9]  }
0xdf: {  	[hbm4b:s23+s3] =	stream.linear.scatter [tilespmem:s15], [sflag:$0x1], $0x800, $0x38;
	[tilespmem:$0x8200] =	vst v63  }
0xe0: {  	s30 =	rddreg [dreg:$0xa]  }
0xe1: {  	[hbm4b:s30+s3] =	stream.linear.scatter [tilespmem:s16], [sflag:$0x1], $0x800, $0x38;
	[tilespmem:$0x8200] =	vst v63  }
0xe2: {  	_ = 	snop  }
0xe3: {  	[hbm4b:s4+s3] =	stream.linear.scatter [tilespmem:s17], [sflag:$0x1], $0x800, $0x38;
	[tilespmem:$0x8200] =	vst v63  }
0xe4: {  	_ = 	snop  }
0xe5: {  	[hbm4b:s5+s3] =	stream.linear.scatter [tilespmem:s18], [sflag:$0x1], $0x800, $0x38;
	[tilespmem:$0x8200] =	vst v63  }
0xe6: {  	_ = 	snop  }
0xe7: {  	[hbm4b:s6+s3] =	stream.linear.scatter [tilespmem:s19], [sflag:$0x1], $0x800, $0x38;
	[tilespmem:$0x8200] =	vst v63  }
0xe8: {  	_ = 	snop  }
0xe9: {  	[hbm4b:s7+s3] =	stream.linear.scatter [tilespmem:s20], [sflag:$0x1], $0x800, $0x38;
	[tilespmem:$0x8200] =	vst v63  }
0xea: {  	_ = 	snop  }
0xeb: {  	[hbm4b:s8+s3] =	stream.linear.scatter [tilespmem:s24], [sflag:$0x1], $0x800, $0x38;
	[tilespmem:$0x8200] =	vst v63  }
0xec: {  	_ = 	snop  }
0xed: {  	[hbm4b:s9+s3] =	stream.linear.scatter [tilespmem:s25], [sflag:$0x1], $0x800, $0x38;
	[tilespmem:$0x8200] =	vst v63  }
0xee: {  	_ = 	snop  }
0xef: {  	[hbm4b:s10+s3] =	stream.linear.scatter [tilespmem:s26], [sflag:$0x1], $0x800, $0x38;
	[tilespmem:$0x8200] =	vst v63  }
0xf0: {  	_ = 	snop  }
0xf1: {  	[hbm4b:s11+s3] =	stream.linear.scatter [tilespmem:s28], [sflag:$0x1], $0x800, $0x38;
	[tilespmem:$0x8200] =	vst v63  }
0xf2: {  	_ = 	snop  }
0xf3: {  	[hbm4b:s12+s3] =	stream.linear.scatter [tilespmem:s29], [sflag:$0x1], $0x800, $0x38;
	[tilespmem:$0x8200] =	vst v63  }
0xf4: {  	_ = 	snop  }
0xf5: {  	[hbm4b:s13+s3] =	stream.linear.scatter [tilespmem:s14], [sflag:$0x1], $0x800, $0x38;
	[tilespmem:$0x8200] =	vst v63  }
0xf6: {  	_ =	swait.ge [sflag:s2], $0x800  }
0xf7: {  	[sflag:s2] =	ssyncset.done $0x0  }
0xf8: {  	[sflag:s2] =	ssyncadd.s32 $0xFFFFF800  }
0xf9: {  	_ =	swait.ge [sflag:s2], $0x800  }
0xfa: {  	[sflag:s2] =	ssyncset.done $0x0  }
0xfb: {  	[sflag:s2] =	ssyncadd.s32 $0xFFFFF800  }
0xfc: {  	_ =	swait.ge [sflag:s2], $0x800  }
0xfd: {  	[sflag:s2] =	ssyncset.done $0x0  }
0xfe: {  	[sflag:s2] =	ssyncadd.s32 $0xFFFFF800  }
0xff: {  	_ =	swait.ge [sflag:s2], $0x800  }
0x100: {  	[sflag:s2] =	ssyncset.done $0x0  }
0x101: {  	[sflag:s2] =	ssyncadd.s32 $0xFFFFF800  }
0x102: {  	_ =	swait.ge [sflag:s2], $0x800  }
0x103: {  	[sflag:s2] =	ssyncset.done $0x0  }
0x104: {  	[sflag:s2] =	ssyncadd.s32 $0xFFFFF800  }
0x105: {  	_ =	swait.ge [sflag:s2], $0x800  }
0x106: {  	[sflag:s2] =	ssyncset.done $0x0  }
0x107: {  	[sflag:s2] =	ssyncadd.s32 $0xFFFFF800  }
0x108: {  	_ =	swait.ge [sflag:s2], $0x800  }
0x109: {  	[sflag:s2] =	ssyncset.done $0x0  }
0x10a: {  	[sflag:s2] =	ssyncadd.s32 $0xFFFFF800  }
0x10b: {  	_ =	swait.ge [sflag:s2], $0x800  }
0x10c: {  	[sflag:s2] =	ssyncset.done $0x0  }
0x10d: {  	[sflag:s2] =	ssyncadd.s32 $0xFFFFF800  }
0x10e: {  	_ =	swait.ge [sflag:s2], $0x800  }
0x10f: {  	[sflag:s2] =	ssyncset.done $0x0  }
0x110: {  	[sflag:s2] =	ssyncadd.s32 $0xFFFFF800  }
0x111: {  	_ =	swait.ge [sflag:s2], $0x800  }
0x112: {  	[sflag:s2] =	ssyncset.done $0x0  }
0x113: {  	[sflag:s2] =	ssyncadd.s32 $0xFFFFF800  }
0x114: {  	_ =	swait.ge [sflag:s2], $0x800  }
0x115: {  	[sflag:s2] =	ssyncset.done $0x0  }
0x116: {  	[sflag:s2] =	ssyncadd.s32 $0xFFFFF800  }
0x117: {  	_ =	swait.ge [sflag:s2], $0x800  }
0x118: {  	[sflag:s2] =	ssyncset.done $0x0  }
0x119: {  	[sflag:s2] =	ssyncadd.s32 $0xFFFFF800  }
0x11a: {  	_ =	swait.ge [sflag:s2], $0x800  }
0x11b: {  	[sflag:s2] =	ssyncset.done $0x0  }
0x11c: {  	[sflag:s2] =	ssyncadd.s32 $0xFFFFF800  }
0x11d: {  	_ =	swait.ge [sflag:s2], $0x800  }
0x11e: {  	[sflag:s2] =	ssyncset.done $0x0  }
0x11f: {  	[sflag:s2] =	ssyncadd.s32 $0xFFFFF800  }
0x120: {  	_ =	swait.ge [sflag:s2], $0x800  }
0x121: {  	[sflag:s2] =	ssyncset.done $0x0  }
0x122: {  	[sflag:s2] =	ssyncadd.s32 $0xFFFFF800  }
0x123: {  	_ =	swait.ge [sflag:s2], $0x800  }
0x124: {  	[sflag:s2] =	ssyncset.done $0x0  }
0x125: {  	[sflag:s2] =	ssyncadd.s32 $0xFFFFF800  }
0x126: {  	_ =	sfence.sel $0x180000  }
0x127: {  	[bflag:$0x0] =	sbarrier.arrive $0xFFFF  }
0x128: {  	_ =	strace $0x90000047  }
0x129: {  	s31 =	stileid.u32;
	[bflag:$0x2] =	sbarrier.arrive $0xFFFF  }
0x12a: {  	p0 =	sne.s32 s31, $0x0;
	s0 =	rddreg [dreg:$0x2]  }
0x12b: {  	s0 =	sadd.s32 @!p0 $0x100000, s0  }
0x12c: {  	[sflag:s0] =	ssyncadd.tile.s32 @!p0 $0x1;
	_ =	shalt  }
.LBB2_1:
0x12d: {  	s14 =	simm.s32 $0x7A00  }
.Ltmp3:
0x12e: {  	s29 =	simm.s32 $0x7200;
	s28 =	simm.s32 $0x6A00;
	(pc) =	sbr.rel .LBB2_6-.Ltmp3, $4  }
0x12f: {  	s26 =	simm.s32 $0x6200;
	s25 =	simm.s32 $0x5A00;
	s24 =	simm.s32 $0x5200  }
0x130: {  	s23 =	simm.s32 $0xA00;
	s22 =	simm.s32 $0x1200;
	s21 =	simm.s32 $0x1A00  }
0x131: {  	s20 =	simm.s32 $0x4A00;
	s19 =	simm.s32 $0x4200;
	s18 =	simm.s32 $0x3A00  }
0x132: {  	s17 =	simm.s32 $0x3200;
	s16 =	simm.s32 $0x2A00;
	s15 =	simm.s32 $0x2200  }
.LBB2_7:
0x133: {  	s14 =	simm.s32 $0x7A00  }
.Ltmp4:
0x134: {  	s29 =	simm.s32 $0x7200;
	s28 =	simm.s32 $0x6A00;
	(pc) =	sbr.rel .LBB2_6-.Ltmp4, $4  }
0x135: {  	s26 =	simm.s32 $0x6200;
	s25 =	simm.s32 $0x5A00;
	s24 =	simm.s32 $0x5200  }
0x136: {  	s23 =	simm.s32 $0xA00;
	s22 =	simm.s32 $0x1200;
	s21 =	simm.s32 $0x1A00  }
0x137: {  	s20 =	simm.s32 $0x4A00;
	s19 =	simm.s32 $0x4200;
	s18 =	simm.s32 $0x3A00  }
0x138: {  	s17 =	simm.s32 $0x3200;
	s16 =	simm.s32 $0x2A00;
	s15 =	simm.s32 $0x2200  }
.Lfunc_end2:
_tile_overlayer_lowered:
.L_overlay_start_2:
0x139: {  	(tag) =	ssettag $0x2  }
0x13a: {  	s0 =	rddreg [dreg:$0x0];
	s2 =	stileid.u32  }
0x13b: {  	s1 =	rddreg [dreg:$0x1];
	p0 =	sne.s32 s2, $0x0  }
0x13c: {  	s3 =	rddreg [dreg:$0x2];
	[bflag:$0x3] =	sbarrier.arrive $0xFFFF;
	s2 =	simm.s32 @!p0 $0x1C02  }
0x13d: {  	[timem:s3], [sflag:s2] =	dma.local @!p0 [hbm:s0], s1  }
0x13e: {  	s0 =	simm.s32 @!p0 $0x2  }
0x13f: {  	_ =	swait.ge @!p0 [sflag:s0], s1  }
0x140: {  	s1 =	ssub.s32 @!p0 $0x0, s1;
	[sflag:s0] =	ssyncset.done @!p0 $0x0  }
0x141: {  	[sflag:s0] =	ssyncadd.s32 @!p0 s1  }
0x142: {  	[bflag:$0x3] =	sbarrier.arrive $0xFFFF  }
0x143: {  	_ =	shalt  }

</sc_bundles>
